<compile_context>
chip_gen: v7x
topology: tpu7x:2x2x1
jax: 0.10.2.dev20260603
libtpu: 0.0.44.dev20260713+nightly
codegen_flags: <defaults>
</compile_context>

<pallas_src>
import functools

import jax
import jax.numpy as jnp
from jax import lax
from jax.experimental import pallas as pl
from jax.experimental.pallas import tpu as pltpu
from jax.experimental.pallas import tpu_sc as plsc

_B = 128
_D = 64
_N = 32768
_K = 32
_NT = 16
_TN = _N // _NT
_CH = 128
_NCH = _N // _CH
_CPT = _TN // _CH
_MAXC = 40
_NSC = 32
_RPS = _B // _NSC


def _scores_tile(x_ref, w_ref, b_ref, h_ref):
    xw = lax.dot_general(x_ref[:], w_ref[:], (((1,), (1,)), ((), ())),
                         preferred_element_type=jnp.float32)
    sig = 1.0 / (1.0 + jnp.exp(-h_ref[:]))
    return jnp.maximum(xw + b_ref[:], 0.0) * sig


def _score_kernel(x_ref, w_ref, b_ref, h_ref, s_out, t32_ref, cm_out, cm_ref):
    i = pl.program_id(0)
    s3 = _scores_tile(x_ref, w_ref, b_ref, h_ref).reshape(_B, _CPT, _CH)
    s_out[:] = s3
    mxt = jnp.transpose(jnp.max(s3, axis=2))
    cm_ref[i] = mxt
    cm_out[0] = mxt

    @pl.when(i == _NT - 1)
    def _():
        def body(k, p):
            cand = p | (1 << (30 - k))
            cf = lax.bitcast_convert_type(cand, jnp.float32)
            cnt = jnp.sum((cm_ref[:] >= cf[None]).astype(jnp.int32),
                          axis=(0, 1))[None, :]
            return jnp.where(cnt >= _K, cand, p)

        t_int = lax.fori_loop(0, 31, body, jnp.zeros((1, _B), jnp.int32))
        t_f = lax.bitcast_convert_type(t_int, jnp.float32)
        t32_ref[:] = jnp.broadcast_to(jnp.transpose(t_f), (_B, 128))


def _iota16():
    return lax.broadcasted_iota(jnp.int32, (16,), 0)


def _splat(v, dt=jnp.int32):
    return jnp.full((16,), v, dt)


def _sc_gather(sc2_ref, cmf_ref, t32f_ref, vout_ref, lout_ref,
               cm_v, t32_v, gidx_v, lidx_v, rows_v, sem):
    wid = lax.axis_index("s") * 2 + lax.axis_index("c")

    for j in range(_RPS):
        r = wid * _RPS + j
        pltpu.sync_copy(cmf_ref.at[pl.ds(r * _NCH, _NCH)], cm_v)
        pltpu.sync_copy(t32f_ref.at[pl.ds(r * 128, 16)], t32_v)
        t32v = t32_v[...]

        for off in (0, 16, _MAXC - 16):
            gidx_v[pl.ds(off, 16)] = jnp.full((16,), r * _NCH, jnp.int32)
            lidx_v[pl.ds(off, 16)] = jnp.full((16,), _NCH, jnp.int32)

        def cbody(v, c):
            m = cm_v[pl.ds(v * 16, 16)] >= t32v
            ids = v * 16 + _iota16()
            cs = plsc.cumsum(jnp.where(m, _splat(1), _splat(0)))
            pos = jnp.minimum(c + cs - 1, _MAXC - 1)
            plsc.store_scatter(lidx_v, [pos], ids, mask=m)
            plsc.store_scatter(gidx_v, [pos], ids + r * _NCH, mask=m)
            return jnp.minimum(c + plsc.all_reduce_population_count(m), _MAXC)

        lax.fori_loop(0, _NCH // 16, cbody, jnp.zeros((16,), jnp.int32))

        pltpu.async_copy(sc2_ref.at[gidx_v], rows_v, sem).wait()
        pltpu.sync_copy(rows_v, vout_ref.at[pl.ds(r * _MAXC, _MAXC)])
        pltpu.sync_copy(lidx_v, lout_ref.at[pl.ds(r * _MAXC, _MAXC)])


@functools.partial(
    pl.kernel,
    out_type=[
        jax.ShapeDtypeStruct((_B * _MAXC, _CH), jnp.float32),
        jax.ShapeDtypeStruct((_B * _MAXC,), jnp.int32),
    ],
    mesh=plsc.VectorSubcoreMesh(core_axis_name="c", subcore_axis_name="s"),
    compiler_params=pltpu.CompilerParams(needs_layout_passes=False),
    scratch_types=[
        pltpu.VMEM((_NCH,), jnp.float32),
        pltpu.VMEM((16,), jnp.float32),
        pltpu.VMEM((_MAXC,), jnp.int32),
        pltpu.VMEM((_MAXC,), jnp.int32),
        pltpu.VMEM((_MAXC, _CH), jnp.float32),
        pltpu.SemaphoreType.DMA,
    ],
)
def _sc_kernel(sc2, cmf, t32f, vout, lout, *scratch):
    _sc_gather(sc2, cmf, t32f, vout, lout, *scratch)


def _mask_kernel(x_ref, w_ref, b_ref, h_ref, vals_ref, cid_ref, t32_ref,
                 o_ref, tv_scr, ti_scr, wk_scr, tc_scr):
    i = pl.program_id(0)

    @pl.when(i == 0)
    def _():
        cid3 = cid_ref[:][:, :, None]
        t32r = t32_ref[:, 0:1][:, :, None]
        v = vals_ref[:]
        wk_scr[:] = jnp.where((cid3 < _NCH) & (v >= t32r), v,
                              -1.0).reshape(_B, _MAXC * _CH)
        ones = jnp.ones((_MAXC * _CH, 128), jnp.float32)

        def matcnt(ind):
            return lax.dot_general(
                ind.astype(jnp.float32), ones, (((1,), (0,)), ((), ())),
                preferred_element_type=jnp.float32)[:, 0:1]

        def body(k, p):
            cand = p | (1 << (30 - k))
            cf = lax.bitcast_convert_type(cand, jnp.float32)
            cnt = matcnt(wk_scr[:] >= cf)
            return jnp.where(cnt >= _K, cand, p)

        t_int = lax.fori_loop(0, 31, body, jnp.zeros((_B, 1), jnp.int32))
        t_f = lax.bitcast_convert_type(t_int, jnp.float32)
        n_gt = matcnt(wk_scr[:] > t_f)
        quota = _K - n_gt

        cols3 = cid3 * _CH + lax.broadcasted_iota(
            jnp.int32, (_B, _MAXC, _CH), 2)
        tc_scr[:] = jnp.where(wk_scr[:].reshape(_B, _MAXC, _CH) == t_f[:, :, None],
                              cols3, jnp.int32(1 << 20)).reshape(
                                  _B, _MAXC * _CH)

        def ibody(k, p):
            cand = p | (1 << (14 - k))
            g = matcnt(tc_scr[:] < cand)
            return jnp.where(g < quota, cand, p)

        idx_t = lax.fori_loop(0, 15, ibody, jnp.zeros((_B, 1), jnp.int32))
        tv_scr[:] = t_f
        ti_scr[:] = idx_t

    s = _scores_tile(x_ref, w_ref, b_ref, h_ref)
    t = tv_scr[:]
    it = ti_scr[:]
    col = i * _TN + lax.broadcasted_iota(jnp.int32, (_B, _TN), 1)
    keep = (s > t) | ((s == t) & (col <= it))
    o_ref[:] = jnp.where(keep, s, 0.0)


def kernel(x, W, b, health):
    b2 = b.reshape(1, _N)
    h2 = health.reshape(1, _N)
    scores, t32, cm = pl.pallas_call(
        _score_kernel,
        grid=(_NT,),
        in_specs=[
            pl.BlockSpec((_B, _D), lambda i: (0, 0)),
            pl.BlockSpec((_TN, _D), lambda i: (i, 0)),
            pl.BlockSpec((1, _TN), lambda i: (0, i)),
            pl.BlockSpec((1, _TN), lambda i: (0, i)),
        ],
        out_specs=[
            pl.BlockSpec((_B, _CPT, _CH), lambda i: (0, i, 0)),
            pl.BlockSpec((_B, 128), lambda i: (0, 0)),
            pl.BlockSpec((1, _CPT, _B), lambda i: (i, 0, 0)),
        ],
        out_shape=[
            jax.ShapeDtypeStruct((_B, _NCH, _CH), jnp.float32),
            jax.ShapeDtypeStruct((_B, 128), jnp.float32),
            jax.ShapeDtypeStruct((_NT, _CPT, _B), jnp.float32),
        ],
        scratch_shapes=[pltpu.VMEM((_NT, _CPT, _B), jnp.float32)],
    )(x, W, b2, h2)

    cmf = jnp.transpose(cm, (2, 0, 1)).reshape(_B * _NCH)
    vout, lout = _sc_kernel(
        scores.reshape(_B * _NCH, _CH),
        cmf,
        t32.reshape(_B * 128),
    )

    return pl.pallas_call(
        _mask_kernel,
        grid=(_NT,),
        in_specs=[
            pl.BlockSpec((_B, _D), lambda i: (0, 0)),
            pl.BlockSpec((_TN, _D), lambda i: (i, 0)),
            pl.BlockSpec((1, _TN), lambda i: (0, i)),
            pl.BlockSpec((1, _TN), lambda i: (0, i)),
            pl.BlockSpec((_B, _MAXC, _CH), lambda i: (0, 0, 0)),
            pl.BlockSpec((_B, _MAXC), lambda i: (0, 0)),
            pl.BlockSpec((_B, 128), lambda i: (0, 0)),
        ],
        out_specs=pl.BlockSpec((_B, _TN), lambda i: (0, i)),
        out_shape=jax.ShapeDtypeStruct((_B, _N), jnp.float32),
        scratch_shapes=[pltpu.VMEM((_B, 1), jnp.float32),
                        pltpu.VMEM((_B, 1), jnp.int32),
                        pltpu.VMEM((_B, _MAXC * _CH), jnp.float32),
                        pltpu.VMEM((_B, _MAXC * _CH), jnp.int32)],
    )(x, W, b2, h2, vout.reshape(_B, _MAXC, _CH), lout.reshape(_B, _MAXC),
      t32)

# --- scband reference (transcript-rebuilt; emitter-appended) ---
"""Pipeline reference for scband-sparse-layer-18769007084113 (READ-ONLY COPY).

The authoritative reference and input builder live on the scoring server;
editing this copy changes nothing except your own understanding.
"""

import jax, jax.numpy as jnp
import numpy as np

B = 128
INPUT_DIM = 64
N_NODES = 32768
K_SPARSE = 32


def setup_inputs(seed: int = 0) -> dict:
    key = jax.random.key(seed)
    k_x, k_w, k_b, k_h = jax.random.split(key, 4)
    x = jax.random.normal(k_x, (B, INPUT_DIM), dtype=jnp.float32)
    # nn.Linear(input_dim, n_nodes): weight [n_nodes, input_dim], bias [n_nodes]
    bound = 1.0 / np.sqrt(INPUT_DIM)
    W = jax.random.uniform(k_w, (N_NODES, INPUT_DIM), dtype=jnp.float32, minval=-bound, maxval=bound)
    b = jax.random.uniform(k_b, (N_NODES,), dtype=jnp.float32, minval=-bound, maxval=bound)
    health = jnp.ones((N_NODES,), dtype=jnp.float32)
    return {"x": x, "W": W, "b": b, "health": health}


def reference(x, W, b, health):
    # scores = relu(Linear(x))
    scores = jax.nn.relu(x @ W.T + b)
    # health gating
    scores = scores * jax.nn.sigmoid(health)
    # k-WTA: keep top-k per row, zero elsewhere
    top_k_vals, top_k_idx = jax.lax.top_k(scores, K_SPARSE)
    row_idx = jnp.arange(scores.shape[0])[:, None]
    sparse = jnp.zeros_like(scores).at[row_idx, top_k_idx].set(top_k_vals)
    return sparse

if __name__ == "__main__":
    import jax
    _d = setup_inputs()
    print(jax.jit(kernel)(*tuple(_d.values())))

</pallas_src>

<mosaic_0001>
#map = affine_map<(d0, d1) -> (0, 0)>
#map1 = affine_map<(d0, d1) -> (0)>
module attributes {stable_mosaic.version = 14 : i64} {
  func.func @_sc_kernel(%arg0: i32, %arg1: i32, %arg2: memref<32768x128xf32, #tpu.memory_space<hbm>>, %arg3: memref<32768xf32, #tpu.memory_space<hbm>>, %arg4: memref<16384xf32, #tpu.memory_space<hbm>>, %arg5: memref<5120x128xf32, #tpu.memory_space<hbm>>, %arg6: memref<5120xi32, #tpu.memory_space<hbm>>, %arg7: memref<256xf32, #tpu.memory_space<vmem>>, %arg8: memref<16xf32, #tpu.memory_space<vmem>>, %arg9: memref<40xi32, #tpu.memory_space<vmem>>, %arg10: memref<40xi32, #tpu.memory_space<vmem>>, %arg11: memref<40x128xf32, #tpu.memory_space<vmem>>, %arg12: memref<!tpu.dma_semaphore, #tpu.memory_space<semaphore_mem>>) attributes {dimension_semantics = [#tpu.dimension_semantics<core_parallel>, #tpu.dimension_semantics<subcore_parallel>], iteration_bounds = array<i64: 2, 16>, scalar_prefetch = 0 : i64, scratch_operands = 6 : i64, tpu.core_type = #tpu.core_type<sc_vector_subcore>, window_params = [{transform_indices = #map}, {transform_indices = #map1}, {transform_indices = #map1}, {transform_indices = #map}, {transform_indices = #map1}]} {
    %mul3A = arith.constant 2 : i32
    %mul3A_0 = arith.muli %arg1, %mul3A : i32
    %add3A = arith.addi %mul3A_0, %arg0 : i32
    %mul3A_1 = arith.constant 4 : i32
    %mul3A_2 = arith.muli %add3A, %mul3A_1 : i32
    %add3A_3 = arith.constant 0 : i32
    %add3A_4 = arith.addi %mul3A_2, %add3A_3 : i32
    %mul3A_5 = arith.constant 256 : i32
    %mul3A_6 = arith.muli %add3A_4, %mul3A_5 : i32
    "tpu.region"() ({
      %run_scoped3A = tpu.sem_alloc : memref<!tpu.dma_semaphore, #tpu.memory_space<semaphore_mem>>
      %dma_start3A_215 = tpu.memref_slice %arg3[%mul3A_6] : memref<32768xf32, #tpu.memory_space<hbm>> -> memref<256xf32, #tpu.memory_space<hbm>>
      %dma_start3A_216 = tpu.memref_slice %arg3[%mul3A_6] : memref<32768xf32, #tpu.memory_space<hbm>> -> memref<256xf32, #tpu.memory_space<hbm>>
      tpu.enqueue_dma source(%dma_start3A_216 : memref<256xf32, #tpu.memory_space<hbm>>) target(%arg7 : memref<256xf32, #tpu.memory_space<vmem>>) target_semaphore(%run_scoped3A : memref<!tpu.dma_semaphore, #tpu.memory_space<semaphore_mem>>)
      %dma_wait3A_217 = tpu.memref_slice %arg3[%mul3A_6] : memref<32768xf32, #tpu.memory_space<hbm>> -> memref<256xf32, #tpu.memory_space<hbm>>
      %dma_wait3A_218 = tpu.memref_slice %arg3[%mul3A_6] : memref<32768xf32, #tpu.memory_space<hbm>> -> memref<256xf32, #tpu.memory_space<hbm>>
      tpu.wait_dma2 semaphore(%run_scoped3A : memref<!tpu.dma_semaphore, #tpu.memory_space<semaphore_mem>>) src(%dma_wait3A_218 : memref<256xf32, #tpu.memory_space<hbm>>) dst(%arg7 : memref<256xf32, #tpu.memory_space<vmem>>)
      tpu.yield
    }) : () -> ()
    %mul3A_7 = arith.constant 128 : i32
    %mul3A_8 = arith.muli %add3A_4, %mul3A_7 : i32
    "tpu.region"() ({
      %run_scoped3A = tpu.sem_alloc : memref<!tpu.dma_semaphore, #tpu.memory_space<semaphore_mem>>
      %dma_start3A_215 = tpu.memref_slice %arg4[%mul3A_8] : memref<16384xf32, #tpu.memory_space<hbm>> -> memref<16xf32, #tpu.memory_space<hbm>>
      %dma_start3A_216 = tpu.memref_slice %arg4[%mul3A_8] : memref<16384xf32, #tpu.memory_space<hbm>> -> memref<16xf32, #tpu.memory_space<hbm>>
      tpu.enqueue_dma source(%dma_start3A_216 : memref<16xf32, #tpu.memory_space<hbm>>) target(%arg8 : memref<16xf32, #tpu.memory_space<vmem>>) target_semaphore(%run_scoped3A : memref<!tpu.dma_semaphore, #tpu.memory_space<semaphore_mem>>)
      %dma_wait3A_217 = tpu.memref_slice %arg4[%mul3A_8] : memref<16384xf32, #tpu.memory_space<hbm>> -> memref<16xf32, #tpu.memory_space<hbm>>
      %dma_wait3A_218 = tpu.memref_slice %arg4[%mul3A_8] : memref<16384xf32, #tpu.memory_space<hbm>> -> memref<16xf32, #tpu.memory_space<hbm>>
      tpu.wait_dma2 semaphore(%run_scoped3A : memref<!tpu.dma_semaphore, #tpu.memory_space<semaphore_mem>>) src(%dma_wait3A_218 : memref<16xf32, #tpu.memory_space<hbm>>) dst(%arg8 : memref<16xf32, #tpu.memory_space<vmem>>)
      tpu.yield
    }) : () -> ()
    %get3A = arith.constant 0 : index
    %get3A_9 = tpu.vector_load %arg8[%get3A] {strides = array<i32>} : memref<16xf32, #tpu.memory_space<vmem>>, vector<16xf32>,
    %mul3A_10 = arith.constant 256 : i32
    %mul3A_11 = arith.muli %add3A_4, %mul3A_10 : i32
    %broadcast_in_dim3A = vector.broadcast %mul3A_11 : i32 to vector<16xi32>
    %swap3A = arith.constant 0 : index
    %swap3A_12 = tpu.vector_load %arg9[%swap3A] {strides = array<i32>} : memref<40xi32, #tpu.memory_space<vmem>>, vector<16xi32>,
    tpu.vector_store %arg9[%swap3A], %broadcast_in_dim3A {strides = array<i32>} : memref<40xi32, #tpu.memory_space<vmem>>, vector<16xi32>,
    %broadcast_in_dim3A_13 = arith.constant 256 : i32
    %broadcast_in_dim3A_14 = vector.broadcast %broadcast_in_dim3A_13 : i32 to vector<16xi32>
    %swap3A_15 = arith.constant 0 : index
    %swap3A_16 = tpu.vector_load %arg10[%swap3A_15] {strides = array<i32>} : memref<40xi32, #tpu.memory_space<vmem>>, vector<16xi32>,
    tpu.vector_store %arg10[%swap3A_15], %broadcast_in_dim3A_14 {strides = array<i32>} : memref<40xi32, #tpu.memory_space<vmem>>, vector<16xi32>,
    %mul3A_17 = arith.constant 256 : i32
    %mul3A_18 = arith.muli %add3A_4, %mul3A_17 : i32
    %broadcast_in_dim3A_19 = vector.broadcast %mul3A_18 : i32 to vector<16xi32>
    %swap3A_20 = arith.constant 16 : index
    %swap3A_21 = tpu.vector_load %arg9[%swap3A_20] {strides = array<i32>} : memref<40xi32, #tpu.memory_space<vmem>>, vector<16xi32>,
    tpu.vector_store %arg9[%swap3A_20], %broadcast_in_dim3A_19 {strides = array<i32>} : memref<40xi32, #tpu.memory_space<vmem>>, vector<16xi32>,
    %broadcast_in_dim3A_22 = arith.constant 256 : i32
    %broadcast_in_dim3A_23 = vector.broadcast %broadcast_in_dim3A_22 : i32 to vector<16xi32>
    %swap3A_24 = arith.constant 16 : index
    %swap3A_25 = tpu.vector_load %arg10[%swap3A_24] {strides = array<i32>} : memref<40xi32, #tpu.memory_space<vmem>>, vector<16xi32>,
    tpu.vector_store %arg10[%swap3A_24], %broadcast_in_dim3A_23 {strides = array<i32>} : memref<40xi32, #tpu.memory_space<vmem>>, vector<16xi32>,
    %mul3A_26 = arith.constant 256 : i32
    %mul3A_27 = arith.muli %add3A_4, %mul3A_26 : i32
    %broadcast_in_dim3A_28 = vector.broadcast %mul3A_27 : i32 to vector<16xi32>
    %swap3A_29 = arith.constant 24 : index
    %swap3A_30 = tpu.vector_load %arg9[%swap3A_29] {strides = array<i32>} : memref<40xi32, #tpu.memory_space<vmem>>, vector<16xi32>,
    tpu.vector_store %arg9[%swap3A_29], %broadcast_in_dim3A_28 {strides = array<i32>} : memref<40xi32, #tpu.memory_space<vmem>>, vector<16xi32>,
    %broadcast_in_dim3A_31 = arith.constant 256 : i32
    %broadcast_in_dim3A_32 = vector.broadcast %broadcast_in_dim3A_31 : i32 to vector<16xi32>
    %swap3A_33 = arith.constant 24 : index
    %swap3A_34 = tpu.vector_load %arg10[%swap3A_33] {strides = array<i32>} : memref<40xi32, #tpu.memory_space<vmem>>, vector<16xi32>,
    tpu.vector_store %arg10[%swap3A_33], %broadcast_in_dim3A_32 {strides = array<i32>} : memref<40xi32, #tpu.memory_space<vmem>>, vector<16xi32>,
    %broadcast_in_dim3A_35 = arith.constant 0 : i32
    %broadcast_in_dim3A_36 = vector.broadcast %broadcast_in_dim3A_35 : i32 to vector<16xi32>
    %scan3A = arith.constant 0 : i32
    %scan3A_37 = arith.constant 16 : i32
    %scan3A_38 = arith.addi %scan3A, %scan3A_37 : i32
    %scan3A_39 = arith.constant 1 : i32
    %scan3A_40 = scf.for %scan3A_215 = %scan3A to %scan3A_38 step %scan3A_39 iter_args(%scan3A_216 = %broadcast_in_dim3A_36) -> (vector<16xi32>)  : i32 {
      %mul3A_217 = arith.constant 16 : i32
      %mul3A_218 = arith.muli %scan3A_215, %mul3A_217 : i32
      %get3A_219 = arith.index_cast %mul3A_218 : i32 to index
      %get3A_220 = tpu.vector_load %arg7[%get3A_219] {strides = array<i32>} : memref<256xf32, #tpu.memory_space<vmem>>, vector<16xf32>,
      %ge3A = arith.cmpf oge, %get3A_220, %get3A_9 : vector<16xf32>
      %mul3A_221 = arith.constant 16 : i32
      %mul3A_222 = arith.muli %scan3A_215, %mul3A_221 : i32
      %iota3A = tpu.iota {dimensions = array<i32: 0>} : vector<16xi32>
      %add3A_223 = vector.broadcast %mul3A_222 : i32 to vector<16xi32>
      %add3A_224 = arith.addi %add3A_223, %iota3A : vector<16xi32>
      %broadcast_in_dim3A_225 = arith.constant 1 : i32
      %broadcast_in_dim3A_226 = vector.broadcast %broadcast_in_dim3A_225 : i32 to vector<16xi32>
      %broadcast_in_dim3A_227 = arith.constant 0 : i32
      %broadcast_in_dim3A_228 = vector.broadcast %broadcast_in_dim3A_227 : i32 to vector<16xi32>
      %select_n3A = arith.select %ge3A, %broadcast_in_dim3A_226, %broadcast_in_dim3A_228 : vector<16xi1>, vector<16xi32>
      %broadcast_in_dim3A_229 = arith.constant true
      %broadcast_in_dim3A_230 = vector.broadcast %broadcast_in_dim3A_229 : i1 to vector<16xi1>
      %masked_cumsum3A = tpu.scan <sum>, %select_n3A masked %broadcast_in_dim3A_230 : vector<16xi32>, vector<16xi1> -> vector<16xi32>
      %add3A_231 = arith.addi %scan3A_216, %masked_cumsum3A : vector<16xi32>
      %sub3A = arith.constant 1 : i32
      %sub3A_232 = vector.broadcast %sub3A : i32 to vector<16xi32>
      %sub3A_233 = arith.subi %add3A_231, %sub3A_232 : vector<16xi32>
      %min3A = arith.constant 39 : i32
      %min3A_234 = vector.broadcast %min3A : i32 to vector<16xi32>
      %min3A_235 = arith.minsi %sub3A_233, %min3A_234 : vector<16xi32>
      tpu.vector_store_idx %arg10[%min3A_235], %add3A_224 masked %ge3A : memref<40xi32, #tpu.memory_space<vmem>>[vector<16xi32>], vector<16xi32>, vector<16xi1>
      %mul3A_236 = arith.constant 256 : i32
      %mul3A_237 = arith.muli %add3A_4, %mul3A_236 : i32
      %add3A_238 = vector.broadcast %mul3A_237 : i32 to vector<16xi32>
      %add3A_239 = arith.addi %add3A_224, %add3A_238 : vector<16xi32>
      tpu.vector_store_idx %arg9[%min3A_235], %add3A_239 masked %ge3A : memref<40xi32, #tpu.memory_space<vmem>>[vector<16xi32>], vector<16xi32>, vector<16xi1>
      %all_reduce_population_count3A = tpu.all_reduce %ge3A {dim = 0 : i64, kind = #tpu.reduction_kind<sum>} : vector<16xi1> -> vector<16xi32>
      %add3A_240 = arith.addi %scan3A_216, %all_reduce_population_count3A : vector<16xi32>
      %min3A_241 = arith.constant 40 : i32
      %min3A_242 = vector.broadcast %min3A_241 : i32 to vector<16xi32>
      %min3A_243 = arith.minsi %add3A_240, %min3A_242 : vector<16xi32>
      scf.yield %min3A_243 : vector<16xi32>
    }
    %scan3A_41 = arith.constant 16 : i32
    %dma_start3A = arith.constant 0 : i32
    %dma_start3A_42 = arith.constant 0 : i32
    %dma_start3A_43 = tpu.memref_slice %arg2[%dma_start3A, %dma_start3A_42] : memref<32768x128xf32, #tpu.memory_space<hbm>> -> memref<32768x128xf32, #tpu.memory_space<hbm>>
    tpu.enqueue_indirect_dma source(%dma_start3A_43 : memref<32768x128xf32, #tpu.memory_space<hbm>>) target(%arg11 : memref<40x128xf32, #tpu.memory_space<vmem>>) offsets(%arg9 : memref<40xi32, #tpu.memory_space<vmem>>) semaphore(%arg12 : memref<!tpu.dma_semaphore, #tpu.memory_space<semaphore_mem>>)
    %dma_wait3A = arith.constant 0 : i32
    %dma_wait3A_44 = arith.constant 0 : i32
    %dma_wait3A_45 = tpu.memref_slice %arg2[%dma_wait3A, %dma_wait3A_44] : memref<32768x128xf32, #tpu.memory_space<hbm>> -> memref<32768x128xf32, #tpu.memory_space<hbm>>
    tpu.wait_indirect_dma semaphore(%arg12 : memref<!tpu.dma_semaphore, #tpu.memory_space<semaphore_mem>>) src(%dma_wait3A_45 : memref<32768x128xf32, #tpu.memory_space<hbm>>) dst(%arg11 : memref<40x128xf32, #tpu.memory_space<vmem>>)
    %mul3A_46 = arith.constant 40 : i32
    %mul3A_47 = arith.muli %add3A_4, %mul3A_46 : i32
    "tpu.region"() ({
      %run_scoped3A = tpu.sem_alloc : memref<!tpu.dma_semaphore, #tpu.memory_space<semaphore_mem>>
      %dma_start3A_215 = arith.constant 0 : i32
      %dma_start3A_216 = tpu.memref_slice %arg5[%mul3A_47, %dma_start3A_215] : memref<5120x128xf32, #tpu.memory_space<hbm>> -> memref<40x128xf32, #tpu.memory_space<hbm>>
      %dma_start3A_217 = arith.constant 0 : i32
      %dma_start3A_218 = tpu.memref_slice %arg5[%mul3A_47, %dma_start3A_217] : memref<5120x128xf32, #tpu.memory_space<hbm>> -> memref<40x128xf32, #tpu.memory_space<hbm>>
      tpu.enqueue_dma source(%arg11 : memref<40x128xf32, #tpu.memory_space<vmem>>) target(%dma_start3A_218 : memref<40x128xf32, #tpu.memory_space<hbm>>) target_semaphore(%run_scoped3A : memref<!tpu.dma_semaphore, #tpu.memory_space<semaphore_mem>>)
      %dma_wait3A_219 = arith.constant 0 : i32
      %dma_wait3A_220 = tpu.memref_slice %arg5[%mul3A_47, %dma_wait3A_219] : memref<5120x128xf32, #tpu.memory_space<hbm>> -> memref<40x128xf32, #tpu.memory_space<hbm>>
      %dma_wait3A_221 = arith.constant 0 : i32
      %dma_wait3A_222 = tpu.memref_slice %arg5[%mul3A_47, %dma_wait3A_221] : memref<5120x128xf32, #tpu.memory_space<hbm>> -> memref<40x128xf32, #tpu.memory_space<hbm>>
      tpu.wait_dma2 semaphore(%run_scoped3A : memref<!tpu.dma_semaphore, #tpu.memory_space<semaphore_mem>>) src(%arg11 : memref<40x128xf32, #tpu.memory_space<vmem>>) dst(%dma_wait3A_222 : memref<40x128xf32, #tpu.memory_space<hbm>>)
      tpu.yield
    }) : () -> ()
    %mul3A_48 = arith.constant 40 : i32
    %mul3A_49 = arith.muli %add3A_4, %mul3A_48 : i32
    "tpu.region"() ({
      %run_scoped3A = tpu.sem_alloc : memref<!tpu.dma_semaphore, #tpu.memory_space<semaphore_mem>>
      %dma_start3A_215 = tpu.memref_slice %arg6[%mul3A_49] : memref<5120xi32, #tpu.memory_space<hbm>> -> memref<40xi32, #tpu.memory_space<hbm>>
      %dma_start3A_216 = tpu.memref_slice %arg6[%mul3A_49] : memref<5120xi32, #tpu.memory_space<hbm>> -> memref<40xi32, #tpu.memory_space<hbm>>
      tpu.enqueue_dma source(%arg10 : memref<40xi32, #tpu.memory_space<vmem>>) target(%dma_start3A_216 : memref<40xi32, #tpu.memory_space<hbm>>) target_semaphore(%run_scoped3A : memref<!tpu.dma_semaphore, #tpu.memory_space<semaphore_mem>>)
      %dma_wait3A_217 = tpu.memref_slice %arg6[%mul3A_49] : memref<5120xi32, #tpu.memory_space<hbm>> -> memref<40xi32, #tpu.memory_space<hbm>>
      %dma_wait3A_218 = tpu.memref_slice %arg6[%mul3A_49] : memref<5120xi32, #tpu.memory_space<hbm>> -> memref<40xi32, #tpu.memory_space<hbm>>
      tpu.wait_dma2 semaphore(%run_scoped3A : memref<!tpu.dma_semaphore, #tpu.memory_space<semaphore_mem>>) src(%arg10 : memref<40xi32, #tpu.memory_space<vmem>>) dst(%dma_wait3A_218 : memref<40xi32, #tpu.memory_space<hbm>>)
      tpu.yield
    }) : () -> ()
    %mul3A_50 = arith.constant 4 : i32
    %mul3A_51 = arith.muli %add3A, %mul3A_50 : i32
    %add3A_52 = arith.constant 1 : i32
    %add3A_53 = arith.addi %mul3A_51, %add3A_52 : i32
    %mul3A_54 = arith.constant 256 : i32
    %mul3A_55 = arith.muli %add3A_53, %mul3A_54 : i32
    "tpu.region"() ({
      %run_scoped3A = tpu.sem_alloc : memref<!tpu.dma_semaphore, #tpu.memory_space<semaphore_mem>>
      %dma_start3A_215 = tpu.memref_slice %arg3[%mul3A_55] : memref<32768xf32, #tpu.memory_space<hbm>> -> memref<256xf32, #tpu.memory_space<hbm>>
      %dma_start3A_216 = tpu.memref_slice %arg3[%mul3A_55] : memref<32768xf32, #tpu.memory_space<hbm>> -> memref<256xf32, #tpu.memory_space<hbm>>
      tpu.enqueue_dma source(%dma_start3A_216 : memref<256xf32, #tpu.memory_space<hbm>>) target(%arg7 : memref<256xf32, #tpu.memory_space<vmem>>) target_semaphore(%run_scoped3A : memref<!tpu.dma_semaphore, #tpu.memory_space<semaphore_mem>>)
      %dma_wait3A_217 = tpu.memref_slice %arg3[%mul3A_55] : memref<32768xf32, #tpu.memory_space<hbm>> -> memref<256xf32, #tpu.memory_space<hbm>>
      %dma_wait3A_218 = tpu.memref_slice %arg3[%mul3A_55] : memref<32768xf32, #tpu.memory_space<hbm>> -> memref<256xf32, #tpu.memory_space<hbm>>
      tpu.wait_dma2 semaphore(%run_scoped3A : memref<!tpu.dma_semaphore, #tpu.memory_space<semaphore_mem>>) src(%dma_wait3A_218 : memref<256xf32, #tpu.memory_space<hbm>>) dst(%arg7 : memref<256xf32, #tpu.memory_space<vmem>>)
      tpu.yield
    }) : () -> ()
    %mul3A_56 = arith.constant 128 : i32
    %mul3A_57 = arith.muli %add3A_53, %mul3A_56 : i32
    "tpu.region"() ({
      %run_scoped3A = tpu.sem_alloc : memref<!tpu.dma_semaphore, #tpu.memory_space<semaphore_mem>>
      %dma_start3A_215 = tpu.memref_slice %arg4[%mul3A_57] : memref<16384xf32, #tpu.memory_space<hbm>> -> memref<16xf32, #tpu.memory_space<hbm>>
      %dma_start3A_216 = tpu.memref_slice %arg4[%mul3A_57] : memref<16384xf32, #tpu.memory_space<hbm>> -> memref<16xf32, #tpu.memory_space<hbm>>
      tpu.enqueue_dma source(%dma_start3A_216 : memref<16xf32, #tpu.memory_space<hbm>>) target(%arg8 : memref<16xf32, #tpu.memory_space<vmem>>) target_semaphore(%run_scoped3A : memref<!tpu.dma_semaphore, #tpu.memory_space<semaphore_mem>>)
      %dma_wait3A_217 = tpu.memref_slice %arg4[%mul3A_57] : memref<16384xf32, #tpu.memory_space<hbm>> -> memref<16xf32, #tpu.memory_space<hbm>>
      %dma_wait3A_218 = tpu.memref_slice %arg4[%mul3A_57] : memref<16384xf32, #tpu.memory_space<hbm>> -> memref<16xf32, #tpu.memory_space<hbm>>
      tpu.wait_dma2 semaphore(%run_scoped3A : memref<!tpu.dma_semaphore, #tpu.memory_space<semaphore_mem>>) src(%dma_wait3A_218 : memref<16xf32, #tpu.memory_space<hbm>>) dst(%arg8 : memref<16xf32, #tpu.memory_space<vmem>>)
      tpu.yield
    }) : () -> ()
    %get3A_58 = arith.constant 0 : index
    %get3A_59 = tpu.vector_load %arg8[%get3A_58] {strides = array<i32>} : memref<16xf32, #tpu.memory_space<vmem>>, vector<16xf32>,
    %mul3A_60 = arith.constant 256 : i32
    %mul3A_61 = arith.muli %add3A_53, %mul3A_60 : i32
    %broadcast_in_dim3A_62 = vector.broadcast %mul3A_61 : i32 to vector<16xi32>
    %swap3A_63 = arith.constant 0 : index
    %swap3A_64 = tpu.vector_load %arg9[%swap3A_63] {strides = array<i32>} : memref<40xi32, #tpu.memory_space<vmem>>, vector<16xi32>,
    tpu.vector_store %arg9[%swap3A_63], %broadcast_in_dim3A_62 {strides = array<i32>} : memref<40xi32, #tpu.memory_space<vmem>>, vector<16xi32>,
    %broadcast_in_dim3A_65 = arith.constant 256 : i32
    %broadcast_in_dim3A_66 = vector.broadcast %broadcast_in_dim3A_65 : i32 to vector<16xi32>
    %swap3A_67 = arith.constant 0 : index
    %swap3A_68 = tpu.vector_load %arg10[%swap3A_67] {strides = array<i32>} : memref<40xi32, #tpu.memory_space<vmem>>, vector<16xi32>,
    tpu.vector_store %arg10[%swap3A_67], %broadcast_in_dim3A_66 {strides = array<i32>} : memref<40xi32, #tpu.memory_space<vmem>>, vector<16xi32>,
    %mul3A_69 = arith.constant 256 : i32
    %mul3A_70 = arith.muli %add3A_53, %mul3A_69 : i32
    %broadcast_in_dim3A_71 = vector.broadcast %mul3A_70 : i32 to vector<16xi32>
    %swap3A_72 = arith.constant 16 : index
    %swap3A_73 = tpu.vector_load %arg9[%swap3A_72] {strides = array<i32>} : memref<40xi32, #tpu.memory_space<vmem>>, vector<16xi32>,
    tpu.vector_store %arg9[%swap3A_72], %broadcast_in_dim3A_71 {strides = array<i32>} : memref<40xi32, #tpu.memory_space<vmem>>, vector<16xi32>,
    %broadcast_in_dim3A_74 = arith.constant 256 : i32
    %broadcast_in_dim3A_75 = vector.broadcast %broadcast_in_dim3A_74 : i32 to vector<16xi32>
    %swap3A_76 = arith.constant 16 : index
    %swap3A_77 = tpu.vector_load %arg10[%swap3A_76] {strides = array<i32>} : memref<40xi32, #tpu.memory_space<vmem>>, vector<16xi32>,
    tpu.vector_store %arg10[%swap3A_76], %broadcast_in_dim3A_75 {strides = array<i32>} : memref<40xi32, #tpu.memory_space<vmem>>, vector<16xi32>,
    %mul3A_78 = arith.constant 256 : i32
    %mul3A_79 = arith.muli %add3A_53, %mul3A_78 : i32
    %broadcast_in_dim3A_80 = vector.broadcast %mul3A_79 : i32 to vector<16xi32>
    %swap3A_81 = arith.constant 24 : index
    %swap3A_82 = tpu.vector_load %arg9[%swap3A_81] {strides = array<i32>} : memref<40xi32, #tpu.memory_space<vmem>>, vector<16xi32>,
    tpu.vector_store %arg9[%swap3A_81], %broadcast_in_dim3A_80 {strides = array<i32>} : memref<40xi32, #tpu.memory_space<vmem>>, vector<16xi32>,
    %broadcast_in_dim3A_83 = arith.constant 256 : i32
    %broadcast_in_dim3A_84 = vector.broadcast %broadcast_in_dim3A_83 : i32 to vector<16xi32>
    %swap3A_85 = arith.constant 24 : index
    %swap3A_86 = tpu.vector_load %arg10[%swap3A_85] {strides = array<i32>} : memref<40xi32, #tpu.memory_space<vmem>>, vector<16xi32>,
    tpu.vector_store %arg10[%swap3A_85], %broadcast_in_dim3A_84 {strides = array<i32>} : memref<40xi32, #tpu.memory_space<vmem>>, vector<16xi32>,
    %broadcast_in_dim3A_87 = arith.constant 0 : i32
    %broadcast_in_dim3A_88 = vector.broadcast %broadcast_in_dim3A_87 : i32 to vector<16xi32>
    %scan3A_89 = arith.constant 0 : i32
    %scan3A_90 = arith.constant 16 : i32
    %scan3A_91 = arith.addi %scan3A_89, %scan3A_90 : i32
    %scan3A_92 = arith.constant 1 : i32
    %scan3A_93 = scf.for %scan3A_215 = %scan3A_89 to %scan3A_91 step %scan3A_92 iter_args(%scan3A_216 = %broadcast_in_dim3A_88) -> (vector<16xi32>)  : i32 {
      %mul3A_217 = arith.constant 16 : i32
      %mul3A_218 = arith.muli %scan3A_215, %mul3A_217 : i32
      %get3A_219 = arith.index_cast %mul3A_218 : i32 to index
      %get3A_220 = tpu.vector_load %arg7[%get3A_219] {strides = array<i32>} : memref<256xf32, #tpu.memory_space<vmem>>, vector<16xf32>,
      %ge3A = arith.cmpf oge, %get3A_220, %get3A_59 : vector<16xf32>
      %mul3A_221 = arith.constant 16 : i32
      %mul3A_222 = arith.muli %scan3A_215, %mul3A_221 : i32
      %iota3A = tpu.iota {dimensions = array<i32: 0>} : vector<16xi32>
      %add3A_223 = vector.broadcast %mul3A_222 : i32 to vector<16xi32>
      %add3A_224 = arith.addi %add3A_223, %iota3A : vector<16xi32>
      %broadcast_in_dim3A_225 = arith.constant 1 : i32
      %broadcast_in_dim3A_226 = vector.broadcast %broadcast_in_dim3A_225 : i32 to vector<16xi32>
      %broadcast_in_dim3A_227 = arith.constant 0 : i32
      %broadcast_in_dim3A_228 = vector.broadcast %broadcast_in_dim3A_227 : i32 to vector<16xi32>
      %select_n3A = arith.select %ge3A, %broadcast_in_dim3A_226, %broadcast_in_dim3A_228 : vector<16xi1>, vector<16xi32>
      %broadcast_in_dim3A_229 = arith.constant true
      %broadcast_in_dim3A_230 = vector.broadcast %broadcast_in_dim3A_229 : i1 to vector<16xi1>
      %masked_cumsum3A = tpu.scan <sum>, %select_n3A masked %broadcast_in_dim3A_230 : vector<16xi32>, vector<16xi1> -> vector<16xi32>
      %add3A_231 = arith.addi %scan3A_216, %masked_cumsum3A : vector<16xi32>
      %sub3A = arith.constant 1 : i32
      %sub3A_232 = vector.broadcast %sub3A : i32 to vector<16xi32>
      %sub3A_233 = arith.subi %add3A_231, %sub3A_232 : vector<16xi32>
      %min3A = arith.constant 39 : i32
      %min3A_234 = vector.broadcast %min3A : i32 to vector<16xi32>
      %min3A_235 = arith.minsi %sub3A_233, %min3A_234 : vector<16xi32>
      tpu.vector_store_idx %arg10[%min3A_235], %add3A_224 masked %ge3A : memref<40xi32, #tpu.memory_space<vmem>>[vector<16xi32>], vector<16xi32>, vector<16xi1>
      %mul3A_236 = arith.constant 256 : i32
      %mul3A_237 = arith.muli %add3A_53, %mul3A_236 : i32
      %add3A_238 = vector.broadcast %mul3A_237 : i32 to vector<16xi32>
      %add3A_239 = arith.addi %add3A_224, %add3A_238 : vector<16xi32>
      tpu.vector_store_idx %arg9[%min3A_235], %add3A_239 masked %ge3A : memref<40xi32, #tpu.memory_space<vmem>>[vector<16xi32>], vector<16xi32>, vector<16xi1>
      %all_reduce_population_count3A = tpu.all_reduce %ge3A {dim = 0 : i64, kind = #tpu.reduction_kind<sum>} : vector<16xi1> -> vector<16xi32>
      %add3A_240 = arith.addi %scan3A_216, %all_reduce_population_count3A : vector<16xi32>
      %min3A_241 = arith.constant 40 : i32
      %min3A_242 = vector.broadcast %min3A_241 : i32 to vector<16xi32>
      %min3A_243 = arith.minsi %add3A_240, %min3A_242 : vector<16xi32>
      scf.yield %min3A_243 : vector<16xi32>
    }
    %scan3A_94 = arith.constant 16 : i32
    %dma_start3A_95 = arith.constant 0 : i32
    %dma_start3A_96 = arith.constant 0 : i32
    %dma_start3A_97 = tpu.memref_slice %arg2[%dma_start3A_95, %dma_start3A_96] : memref<32768x128xf32, #tpu.memory_space<hbm>> -> memref<32768x128xf32, #tpu.memory_space<hbm>>
    tpu.enqueue_indirect_dma source(%dma_start3A_97 : memref<32768x128xf32, #tpu.memory_space<hbm>>) target(%arg11 : memref<40x128xf32, #tpu.memory_space<vmem>>) offsets(%arg9 : memref<40xi32, #tpu.memory_space<vmem>>) semaphore(%arg12 : memref<!tpu.dma_semaphore, #tpu.memory_space<semaphore_mem>>)
    %dma_wait3A_98 = arith.constant 0 : i32
    %dma_wait3A_99 = arith.constant 0 : i32
    %dma_wait3A_100 = tpu.memref_slice %arg2[%dma_wait3A_98, %dma_wait3A_99] : memref<32768x128xf32, #tpu.memory_space<hbm>> -> memref<32768x128xf32, #tpu.memory_space<hbm>>
    tpu.wait_indirect_dma semaphore(%arg12 : memref<!tpu.dma_semaphore, #tpu.memory_space<semaphore_mem>>) src(%dma_wait3A_100 : memref<32768x128xf32, #tpu.memory_space<hbm>>) dst(%arg11 : memref<40x128xf32, #tpu.memory_space<vmem>>)
    %mul3A_101 = arith.constant 40 : i32
    %mul3A_102 = arith.muli %add3A_53, %mul3A_101 : i32
    "tpu.region"() ({
      %run_scoped3A = tpu.sem_alloc : memref<!tpu.dma_semaphore, #tpu.memory_space<semaphore_mem>>
      %dma_start3A_215 = arith.constant 0 : i32
      %dma_start3A_216 = tpu.memref_slice %arg5[%mul3A_102, %dma_start3A_215] : memref<5120x128xf32, #tpu.memory_space<hbm>> -> memref<40x128xf32, #tpu.memory_space<hbm>>
      %dma_start3A_217 = arith.constant 0 : i32
      %dma_start3A_218 = tpu.memref_slice %arg5[%mul3A_102, %dma_start3A_217] : memref<5120x128xf32, #tpu.memory_space<hbm>> -> memref<40x128xf32, #tpu.memory_space<hbm>>
      tpu.enqueue_dma source(%arg11 : memref<40x128xf32, #tpu.memory_space<vmem>>) target(%dma_start3A_218 : memref<40x128xf32, #tpu.memory_space<hbm>>) target_semaphore(%run_scoped3A : memref<!tpu.dma_semaphore, #tpu.memory_space<semaphore_mem>>)
      %dma_wait3A_219 = arith.constant 0 : i32
      %dma_wait3A_220 = tpu.memref_slice %arg5[%mul3A_102, %dma_wait3A_219] : memref<5120x128xf32, #tpu.memory_space<hbm>> -> memref<40x128xf32, #tpu.memory_space<hbm>>
      %dma_wait3A_221 = arith.constant 0 : i32
      %dma_wait3A_222 = tpu.memref_slice %arg5[%mul3A_102, %dma_wait3A_221] : memref<5120x128xf32, #tpu.memory_space<hbm>> -> memref<40x128xf32, #tpu.memory_space<hbm>>
      tpu.wait_dma2 semaphore(%run_scoped3A : memref<!tpu.dma_semaphore, #tpu.memory_space<semaphore_mem>>) src(%arg11 : memref<40x128xf32, #tpu.memory_space<vmem>>) dst(%dma_wait3A_222 : memref<40x128xf32, #tpu.memory_space<hbm>>)
      tpu.yield
    }) : () -> ()
    %mul3A_103 = arith.constant 40 : i32
    %mul3A_104 = arith.muli %add3A_53, %mul3A_103 : i32
    "tpu.region"() ({
      %run_scoped3A = tpu.sem_alloc : memref<!tpu.dma_semaphore, #tpu.memory_space<semaphore_mem>>
      %dma_start3A_215 = tpu.memref_slice %arg6[%mul3A_104] : memref<5120xi32, #tpu.memory_space<hbm>> -> memref<40xi32, #tpu.memory_space<hbm>>
      %dma_start3A_216 = tpu.memref_slice %arg6[%mul3A_104] : memref<5120xi32, #tpu.memory_space<hbm>> -> memref<40xi32, #tpu.memory_space<hbm>>
      tpu.enqueue_dma source(%arg10 : memref<40xi32, #tpu.memory_space<vmem>>) target(%dma_start3A_216 : memref<40xi32, #tpu.memory_space<hbm>>) target_semaphore(%run_scoped3A : memref<!tpu.dma_semaphore, #tpu.memory_space<semaphore_mem>>)
      %dma_wait3A_217 = tpu.memref_slice %arg6[%mul3A_104] : memref<5120xi32, #tpu.memory_space<hbm>> -> memref<40xi32, #tpu.memory_space<hbm>>
      %dma_wait3A_218 = tpu.memref_slice %arg6[%mul3A_104] : memref<5120xi32, #tpu.memory_space<hbm>> -> memref<40xi32, #tpu.memory_space<hbm>>
      tpu.wait_dma2 semaphore(%run_scoped3A : memref<!tpu.dma_semaphore, #tpu.memory_space<semaphore_mem>>) src(%arg10 : memref<40xi32, #tpu.memory_space<vmem>>) dst(%dma_wait3A_218 : memref<40xi32, #tpu.memory_space<hbm>>)
      tpu.yield
    }) : () -> ()
    %mul3A_105 = arith.constant 4 : i32
    %mul3A_106 = arith.muli %add3A, %mul3A_105 : i32
    %add3A_107 = arith.constant 2 : i32
    %add3A_108 = arith.addi %mul3A_106, %add3A_107 : i32
    %mul3A_109 = arith.constant 256 : i32
    %mul3A_110 = arith.muli %add3A_108, %mul3A_109 : i32
    "tpu.region"() ({
      %run_scoped3A = tpu.sem_alloc : memref<!tpu.dma_semaphore, #tpu.memory_space<semaphore_mem>>
      %dma_start3A_215 = tpu.memref_slice %arg3[%mul3A_110] : memref<32768xf32, #tpu.memory_space<hbm>> -> memref<256xf32, #tpu.memory_space<hbm>>
      %dma_start3A_216 = tpu.memref_slice %arg3[%mul3A_110] : memref<32768xf32, #tpu.memory_space<hbm>> -> memref<256xf32, #tpu.memory_space<hbm>>
      tpu.enqueue_dma source(%dma_start3A_216 : memref<256xf32, #tpu.memory_space<hbm>>) target(%arg7 : memref<256xf32, #tpu.memory_space<vmem>>) target_semaphore(%run_scoped3A : memref<!tpu.dma_semaphore, #tpu.memory_space<semaphore_mem>>)
      %dma_wait3A_217 = tpu.memref_slice %arg3[%mul3A_110] : memref<32768xf32, #tpu.memory_space<hbm>> -> memref<256xf32, #tpu.memory_space<hbm>>
      %dma_wait3A_218 = tpu.memref_slice %arg3[%mul3A_110] : memref<32768xf32, #tpu.memory_space<hbm>> -> memref<256xf32, #tpu.memory_space<hbm>>
      tpu.wait_dma2 semaphore(%run_scoped3A : memref<!tpu.dma_semaphore, #tpu.memory_space<semaphore_mem>>) src(%dma_wait3A_218 : memref<256xf32, #tpu.memory_space<hbm>>) dst(%arg7 : memref<256xf32, #tpu.memory_space<vmem>>)
      tpu.yield
    }) : () -> ()
    %mul3A_111 = arith.constant 128 : i32
    %mul3A_112 = arith.muli %add3A_108, %mul3A_111 : i32
    "tpu.region"() ({
      %run_scoped3A = tpu.sem_alloc : memref<!tpu.dma_semaphore, #tpu.memory_space<semaphore_mem>>
      %dma_start3A_215 = tpu.memref_slice %arg4[%mul3A_112] : memref<16384xf32, #tpu.memory_space<hbm>> -> memref<16xf32, #tpu.memory_space<hbm>>
      %dma_start3A_216 = tpu.memref_slice %arg4[%mul3A_112] : memref<16384xf32, #tpu.memory_space<hbm>> -> memref<16xf32, #tpu.memory_space<hbm>>
      tpu.enqueue_dma source(%dma_start3A_216 : memref<16xf32, #tpu.memory_space<hbm>>) target(%arg8 : memref<16xf32, #tpu.memory_space<vmem>>) target_semaphore(%run_scoped3A : memref<!tpu.dma_semaphore, #tpu.memory_space<semaphore_mem>>)
      %dma_wait3A_217 = tpu.memref_slice %arg4[%mul3A_112] : memref<16384xf32, #tpu.memory_space<hbm>> -> memref<16xf32, #tpu.memory_space<hbm>>
      %dma_wait3A_218 = tpu.memref_slice %arg4[%mul3A_112] : memref<16384xf32, #tpu.memory_space<hbm>> -> memref<16xf32, #tpu.memory_space<hbm>>
      tpu.wait_dma2 semaphore(%run_scoped3A : memref<!tpu.dma_semaphore, #tpu.memory_space<semaphore_mem>>) src(%dma_wait3A_218 : memref<16xf32, #tpu.memory_space<hbm>>) dst(%arg8 : memref<16xf32, #tpu.memory_space<vmem>>)
      tpu.yield
    }) : () -> ()
    %get3A_113 = arith.constant 0 : index
    %get3A_114 = tpu.vector_load %arg8[%get3A_113] {strides = array<i32>} : memref<16xf32, #tpu.memory_space<vmem>>, vector<16xf32>,
    %mul3A_115 = arith.constant 256 : i32
    %mul3A_116 = arith.muli %add3A_108, %mul3A_115 : i32
    %broadcast_in_dim3A_117 = vector.broadcast %mul3A_116 : i32 to vector<16xi32>
    %swap3A_118 = arith.constant 0 : index
    %swap3A_119 = tpu.vector_load %arg9[%swap3A_118] {strides = array<i32>} : memref<40xi32, #tpu.memory_space<vmem>>, vector<16xi32>,
    tpu.vector_store %arg9[%swap3A_118], %broadcast_in_dim3A_117 {strides = array<i32>} : memref<40xi32, #tpu.memory_space<vmem>>, vector<16xi32>,
    %broadcast_in_dim3A_120 = arith.constant 256 : i32
    %broadcast_in_dim3A_121 = vector.broadcast %broadcast_in_dim3A_120 : i32 to vector<16xi32>
    %swap3A_122 = arith.constant 0 : index
    %swap3A_123 = tpu.vector_load %arg10[%swap3A_122] {strides = array<i32>} : memref<40xi32, #tpu.memory_space<vmem>>, vector<16xi32>,
    tpu.vector_store %arg10[%swap3A_122], %broadcast_in_dim3A_121 {strides = array<i32>} : memref<40xi32, #tpu.memory_space<vmem>>, vector<16xi32>,
    %mul3A_124 = arith.constant 256 : i32
    %mul3A_125 = arith.muli %add3A_108, %mul3A_124 : i32
    %broadcast_in_dim3A_126 = vector.broadcast %mul3A_125 : i32 to vector<16xi32>
    %swap3A_127 = arith.constant 16 : index
    %swap3A_128 = tpu.vector_load %arg9[%swap3A_127] {strides = array<i32>} : memref<40xi32, #tpu.memory_space<vmem>>, vector<16xi32>,
    tpu.vector_store %arg9[%swap3A_127], %broadcast_in_dim3A_126 {strides = array<i32>} : memref<40xi32, #tpu.memory_space<vmem>>, vector<16xi32>,
    %broadcast_in_dim3A_129 = arith.constant 256 : i32
    %broadcast_in_dim3A_130 = vector.broadcast %broadcast_in_dim3A_129 : i32 to vector<16xi32>
    %swap3A_131 = arith.constant 16 : index
    %swap3A_132 = tpu.vector_load %arg10[%swap3A_131] {strides = array<i32>} : memref<40xi32, #tpu.memory_space<vmem>>, vector<16xi32>,
    tpu.vector_store %arg10[%swap3A_131], %broadcast_in_dim3A_130 {strides = array<i32>} : memref<40xi32, #tpu.memory_space<vmem>>, vector<16xi32>,
    %mul3A_133 = arith.constant 256 : i32
    %mul3A_134 = arith.muli %add3A_108, %mul3A_133 : i32
    %broadcast_in_dim3A_135 = vector.broadcast %mul3A_134 : i32 to vector<16xi32>
    %swap3A_136 = arith.constant 24 : index
    %swap3A_137 = tpu.vector_load %arg9[%swap3A_136] {strides = array<i32>} : memref<40xi32, #tpu.memory_space<vmem>>, vector<16xi32>,
    tpu.vector_store %arg9[%swap3A_136], %broadcast_in_dim3A_135 {strides = array<i32>} : memref<40xi32, #tpu.memory_space<vmem>>, vector<16xi32>,
    %broadcast_in_dim3A_138 = arith.constant 256 : i32
    %broadcast_in_dim3A_139 = vector.broadcast %broadcast_in_dim3A_138 : i32 to vector<16xi32>
    %swap3A_140 = arith.constant 24 : index
    %swap3A_141 = tpu.vector_load %arg10[%swap3A_140] {strides = array<i32>} : memref<40xi32, #tpu.memory_space<vmem>>, vector<16xi32>,
    tpu.vector_store %arg10[%swap3A_140], %broadcast_in_dim3A_139 {strides = array<i32>} : memref<40xi32, #tpu.memory_space<vmem>>, vector<16xi32>,
    %broadcast_in_dim3A_142 = arith.constant 0 : i32
    %broadcast_in_dim3A_143 = vector.broadcast %broadcast_in_dim3A_142 : i32 to vector<16xi32>
    %scan3A_144 = arith.constant 0 : i32
    %scan3A_145 = arith.constant 16 : i32
    %scan3A_146 = arith.addi %scan3A_144, %scan3A_145 : i32
    %scan3A_147 = arith.constant 1 : i32
    %scan3A_148 = scf.for %scan3A_215 = %scan3A_144 to %scan3A_146 step %scan3A_147 iter_args(%scan3A_216 = %broadcast_in_dim3A_143) -> (vector<16xi32>)  : i32 {
      %mul3A_217 = arith.constant 16 : i32
      %mul3A_218 = arith.muli %scan3A_215, %mul3A_217 : i32
      %get3A_219 = arith.index_cast %mul3A_218 : i32 to index
      %get3A_220 = tpu.vector_load %arg7[%get3A_219] {strides = array<i32>} : memref<256xf32, #tpu.memory_space<vmem>>, vector<16xf32>,
      %ge3A = arith.cmpf oge, %get3A_220, %get3A_114 : vector<16xf32>
      %mul3A_221 = arith.constant 16 : i32
      %mul3A_222 = arith.muli %scan3A_215, %mul3A_221 : i32
      %iota3A = tpu.iota {dimensions = array<i32: 0>} : vector<16xi32>
      %add3A_223 = vector.broadcast %mul3A_222 : i32 to vector<16xi32>
      %add3A_224 = arith.addi %add3A_223, %iota3A : vector<16xi32>
      %broadcast_in_dim3A_225 = arith.constant 1 : i32
      %broadcast_in_dim3A_226 = vector.broadcast %broadcast_in_dim3A_225 : i32 to vector<16xi32>
      %broadcast_in_dim3A_227 = arith.constant 0 : i32
      %broadcast_in_dim3A_228 = vector.broadcast %broadcast_in_dim3A_227 : i32 to vector<16xi32>
      %select_n3A = arith.select %ge3A, %broadcast_in_dim3A_226, %broadcast_in_dim3A_228 : vector<16xi1>, vector<16xi32>
      %broadcast_in_dim3A_229 = arith.constant true
      %broadcast_in_dim3A_230 = vector.broadcast %broadcast_in_dim3A_229 : i1 to vector<16xi1>
      %masked_cumsum3A = tpu.scan <sum>, %select_n3A masked %broadcast_in_dim3A_230 : vector<16xi32>, vector<16xi1> -> vector<16xi32>
      %add3A_231 = arith.addi %scan3A_216, %masked_cumsum3A : vector<16xi32>
      %sub3A = arith.constant 1 : i32
      %sub3A_232 = vector.broadcast %sub3A : i32 to vector<16xi32>
      %sub3A_233 = arith.subi %add3A_231, %sub3A_232 : vector<16xi32>
      %min3A = arith.constant 39 : i32
      %min3A_234 = vector.broadcast %min3A : i32 to vector<16xi32>
      %min3A_235 = arith.minsi %sub3A_233, %min3A_234 : vector<16xi32>
      tpu.vector_store_idx %arg10[%min3A_235], %add3A_224 masked %ge3A : memref<40xi32, #tpu.memory_space<vmem>>[vector<16xi32>], vector<16xi32>, vector<16xi1>
      %mul3A_236 = arith.constant 256 : i32
      %mul3A_237 = arith.muli %add3A_108, %mul3A_236 : i32
      %add3A_238 = vector.broadcast %mul3A_237 : i32 to vector<16xi32>
      %add3A_239 = arith.addi %add3A_224, %add3A_238 : vector<16xi32>
      tpu.vector_store_idx %arg9[%min3A_235], %add3A_239 masked %ge3A : memref<40xi32, #tpu.memory_space<vmem>>[vector<16xi32>], vector<16xi32>, vector<16xi1>
      %all_reduce_population_count3A = tpu.all_reduce %ge3A {dim = 0 : i64, kind = #tpu.reduction_kind<sum>} : vector<16xi1> -> vector<16xi32>
      %add3A_240 = arith.addi %scan3A_216, %all_reduce_population_count3A : vector<16xi32>
      %min3A_241 = arith.constant 40 : i32
      %min3A_242 = vector.broadcast %min3A_241 : i32 to vector<16xi32>
      %min3A_243 = arith.minsi %add3A_240, %min3A_242 : vector<16xi32>
      scf.yield %min3A_243 : vector<16xi32>
    }
    %scan3A_149 = arith.constant 16 : i32
    %dma_start3A_150 = arith.constant 0 : i32
    %dma_start3A_151 = arith.constant 0 : i32
    %dma_start3A_152 = tpu.memref_slice %arg2[%dma_start3A_150, %dma_start3A_151] : memref<32768x128xf32, #tpu.memory_space<hbm>> -> memref<32768x128xf32, #tpu.memory_space<hbm>>
    tpu.enqueue_indirect_dma source(%dma_start3A_152 : memref<32768x128xf32, #tpu.memory_space<hbm>>) target(%arg11 : memref<40x128xf32, #tpu.memory_space<vmem>>) offsets(%arg9 : memref<40xi32, #tpu.memory_space<vmem>>) semaphore(%arg12 : memref<!tpu.dma_semaphore, #tpu.memory_space<semaphore_mem>>)
    %dma_wait3A_153 = arith.constant 0 : i32
    %dma_wait3A_154 = arith.constant 0 : i32
    %dma_wait3A_155 = tpu.memref_slice %arg2[%dma_wait3A_153, %dma_wait3A_154] : memref<32768x128xf32, #tpu.memory_space<hbm>> -> memref<32768x128xf32, #tpu.memory_space<hbm>>
    tpu.wait_indirect_dma semaphore(%arg12 : memref<!tpu.dma_semaphore, #tpu.memory_space<semaphore_mem>>) src(%dma_wait3A_155 : memref<32768x128xf32, #tpu.memory_space<hbm>>) dst(%arg11 : memref<40x128xf32, #tpu.memory_space<vmem>>)
    %mul3A_156 = arith.constant 40 : i32
    %mul3A_157 = arith.muli %add3A_108, %mul3A_156 : i32
    "tpu.region"() ({
      %run_scoped3A = tpu.sem_alloc : memref<!tpu.dma_semaphore, #tpu.memory_space<semaphore_mem>>
      %dma_start3A_215 = arith.constant 0 : i32
      %dma_start3A_216 = tpu.memref_slice %arg5[%mul3A_157, %dma_start3A_215] : memref<5120x128xf32, #tpu.memory_space<hbm>> -> memref<40x128xf32, #tpu.memory_space<hbm>>
      %dma_start3A_217 = arith.constant 0 : i32
      %dma_start3A_218 = tpu.memref_slice %arg5[%mul3A_157, %dma_start3A_217] : memref<5120x128xf32, #tpu.memory_space<hbm>> -> memref<40x128xf32, #tpu.memory_space<hbm>>
      tpu.enqueue_dma source(%arg11 : memref<40x128xf32, #tpu.memory_space<vmem>>) target(%dma_start3A_218 : memref<40x128xf32, #tpu.memory_space<hbm>>) target_semaphore(%run_scoped3A : memref<!tpu.dma_semaphore, #tpu.memory_space<semaphore_mem>>)
      %dma_wait3A_219 = arith.constant 0 : i32
      %dma_wait3A_220 = tpu.memref_slice %arg5[%mul3A_157, %dma_wait3A_219] : memref<5120x128xf32, #tpu.memory_space<hbm>> -> memref<40x128xf32, #tpu.memory_space<hbm>>
      %dma_wait3A_221 = arith.constant 0 : i32
      %dma_wait3A_222 = tpu.memref_slice %arg5[%mul3A_157, %dma_wait3A_221] : memref<5120x128xf32, #tpu.memory_space<hbm>> -> memref<40x128xf32, #tpu.memory_space<hbm>>
      tpu.wait_dma2 semaphore(%run_scoped3A : memref<!tpu.dma_semaphore, #tpu.memory_space<semaphore_mem>>) src(%arg11 : memref<40x128xf32, #tpu.memory_space<vmem>>) dst(%dma_wait3A_222 : memref<40x128xf32, #tpu.memory_space<hbm>>)
      tpu.yield
    }) : () -> ()
    %mul3A_158 = arith.constant 40 : i32
    %mul3A_159 = arith.muli %add3A_108, %mul3A_158 : i32
    "tpu.region"() ({
      %run_scoped3A = tpu.sem_alloc : memref<!tpu.dma_semaphore, #tpu.memory_space<semaphore_mem>>
      %dma_start3A_215 = tpu.memref_slice %arg6[%mul3A_159] : memref<5120xi32, #tpu.memory_space<hbm>> -> memref<40xi32, #tpu.memory_space<hbm>>
      %dma_start3A_216 = tpu.memref_slice %arg6[%mul3A_159] : memref<5120xi32, #tpu.memory_space<hbm>> -> memref<40xi32, #tpu.memory_space<hbm>>
      tpu.enqueue_dma source(%arg10 : memref<40xi32, #tpu.memory_space<vmem>>) target(%dma_start3A_216 : memref<40xi32, #tpu.memory_space<hbm>>) target_semaphore(%run_scoped3A : memref<!tpu.dma_semaphore, #tpu.memory_space<semaphore_mem>>)
      %dma_wait3A_217 = tpu.memref_slice %arg6[%mul3A_159] : memref<5120xi32, #tpu.memory_space<hbm>> -> memref<40xi32, #tpu.memory_space<hbm>>
      %dma_wait3A_218 = tpu.memref_slice %arg6[%mul3A_159] : memref<5120xi32, #tpu.memory_space<hbm>> -> memref<40xi32, #tpu.memory_space<hbm>>
      tpu.wait_dma2 semaphore(%run_scoped3A : memref<!tpu.dma_semaphore, #tpu.memory_space<semaphore_mem>>) src(%arg10 : memref<40xi32, #tpu.memory_space<vmem>>) dst(%dma_wait3A_218 : memref<40xi32, #tpu.memory_space<hbm>>)
      tpu.yield
    }) : () -> ()
    %mul3A_160 = arith.constant 4 : i32
    %mul3A_161 = arith.muli %add3A, %mul3A_160 : i32
    %add3A_162 = arith.constant 3 : i32
    %add3A_163 = arith.addi %mul3A_161, %add3A_162 : i32
    %mul3A_164 = arith.constant 256 : i32
    %mul3A_165 = arith.muli %add3A_163, %mul3A_164 : i32
    "tpu.region"() ({
      %run_scoped3A = tpu.sem_alloc : memref<!tpu.dma_semaphore, #tpu.memory_space<semaphore_mem>>
      %dma_start3A_215 = tpu.memref_slice %arg3[%mul3A_165] : memref<32768xf32, #tpu.memory_space<hbm>> -> memref<256xf32, #tpu.memory_space<hbm>>
      %dma_start3A_216 = tpu.memref_slice %arg3[%mul3A_165] : memref<32768xf32, #tpu.memory_space<hbm>> -> memref<256xf32, #tpu.memory_space<hbm>>
      tpu.enqueue_dma source(%dma_start3A_216 : memref<256xf32, #tpu.memory_space<hbm>>) target(%arg7 : memref<256xf32, #tpu.memory_space<vmem>>) target_semaphore(%run_scoped3A : memref<!tpu.dma_semaphore, #tpu.memory_space<semaphore_mem>>)
      %dma_wait3A_217 = tpu.memref_slice %arg3[%mul3A_165] : memref<32768xf32, #tpu.memory_space<hbm>> -> memref<256xf32, #tpu.memory_space<hbm>>
      %dma_wait3A_218 = tpu.memref_slice %arg3[%mul3A_165] : memref<32768xf32, #tpu.memory_space<hbm>> -> memref<256xf32, #tpu.memory_space<hbm>>
      tpu.wait_dma2 semaphore(%run_scoped3A : memref<!tpu.dma_semaphore, #tpu.memory_space<semaphore_mem>>) src(%dma_wait3A_218 : memref<256xf32, #tpu.memory_space<hbm>>) dst(%arg7 : memref<256xf32, #tpu.memory_space<vmem>>)
      tpu.yield
    }) : () -> ()
    %mul3A_166 = arith.constant 128 : i32
    %mul3A_167 = arith.muli %add3A_163, %mul3A_166 : i32
    "tpu.region"() ({
      %run_scoped3A = tpu.sem_alloc : memref<!tpu.dma_semaphore, #tpu.memory_space<semaphore_mem>>
      %dma_start3A_215 = tpu.memref_slice %arg4[%mul3A_167] : memref<16384xf32, #tpu.memory_space<hbm>> -> memref<16xf32, #tpu.memory_space<hbm>>
      %dma_start3A_216 = tpu.memref_slice %arg4[%mul3A_167] : memref<16384xf32, #tpu.memory_space<hbm>> -> memref<16xf32, #tpu.memory_space<hbm>>
      tpu.enqueue_dma source(%dma_start3A_216 : memref<16xf32, #tpu.memory_space<hbm>>) target(%arg8 : memref<16xf32, #tpu.memory_space<vmem>>) target_semaphore(%run_scoped3A : memref<!tpu.dma_semaphore, #tpu.memory_space<semaphore_mem>>)
      %dma_wait3A_217 = tpu.memref_slice %arg4[%mul3A_167] : memref<16384xf32, #tpu.memory_space<hbm>> -> memref<16xf32, #tpu.memory_space<hbm>>
      %dma_wait3A_218 = tpu.memref_slice %arg4[%mul3A_167] : memref<16384xf32, #tpu.memory_space<hbm>> -> memref<16xf32, #tpu.memory_space<hbm>>
      tpu.wait_dma2 semaphore(%run_scoped3A : memref<!tpu.dma_semaphore, #tpu.memory_space<semaphore_mem>>) src(%dma_wait3A_218 : memref<16xf32, #tpu.memory_space<hbm>>) dst(%arg8 : memref<16xf32, #tpu.memory_space<vmem>>)
      tpu.yield
    }) : () -> ()
    %get3A_168 = arith.constant 0 : index
    %get3A_169 = tpu.vector_load %arg8[%get3A_168] {strides = array<i32>} : memref<16xf32, #tpu.memory_space<vmem>>, vector<16xf32>,
    %mul3A_170 = arith.constant 256 : i32
    %mul3A_171 = arith.muli %add3A_163, %mul3A_170 : i32
    %broadcast_in_dim3A_172 = vector.broadcast %mul3A_171 : i32 to vector<16xi32>
    %swap3A_173 = arith.constant 0 : index
    %swap3A_174 = tpu.vector_load %arg9[%swap3A_173] {strides = array<i32>} : memref<40xi32, #tpu.memory_space<vmem>>, vector<16xi32>,
    tpu.vector_store %arg9[%swap3A_173], %broadcast_in_dim3A_172 {strides = array<i32>} : memref<40xi32, #tpu.memory_space<vmem>>, vector<16xi32>,
    %broadcast_in_dim3A_175 = arith.constant 256 : i32
    %broadcast_in_dim3A_176 = vector.broadcast %broadcast_in_dim3A_175 : i32 to vector<16xi32>
    %swap3A_177 = arith.constant 0 : index
    %swap3A_178 = tpu.vector_load %arg10[%swap3A_177] {strides = array<i32>} : memref<40xi32, #tpu.memory_space<vmem>>, vector<16xi32>,
    tpu.vector_store %arg10[%swap3A_177], %broadcast_in_dim3A_176 {strides = array<i32>} : memref<40xi32, #tpu.memory_space<vmem>>, vector<16xi32>,
    %mul3A_179 = arith.constant 256 : i32
    %mul3A_180 = arith.muli %add3A_163, %mul3A_179 : i32
    %broadcast_in_dim3A_181 = vector.broadcast %mul3A_180 : i32 to vector<16xi32>
    %swap3A_182 = arith.constant 16 : index
    %swap3A_183 = tpu.vector_load %arg9[%swap3A_182] {strides = array<i32>} : memref<40xi32, #tpu.memory_space<vmem>>, vector<16xi32>,
    tpu.vector_store %arg9[%swap3A_182], %broadcast_in_dim3A_181 {strides = array<i32>} : memref<40xi32, #tpu.memory_space<vmem>>, vector<16xi32>,
    %broadcast_in_dim3A_184 = arith.constant 256 : i32
    %broadcast_in_dim3A_185 = vector.broadcast %broadcast_in_dim3A_184 : i32 to vector<16xi32>
    %swap3A_186 = arith.constant 16 : index
    %swap3A_187 = tpu.vector_load %arg10[%swap3A_186] {strides = array<i32>} : memref<40xi32, #tpu.memory_space<vmem>>, vector<16xi32>,
    tpu.vector_store %arg10[%swap3A_186], %broadcast_in_dim3A_185 {strides = array<i32>} : memref<40xi32, #tpu.memory_space<vmem>>, vector<16xi32>,
    %mul3A_188 = arith.constant 256 : i32
    %mul3A_189 = arith.muli %add3A_163, %mul3A_188 : i32
    %broadcast_in_dim3A_190 = vector.broadcast %mul3A_189 : i32 to vector<16xi32>
    %swap3A_191 = arith.constant 24 : index
    %swap3A_192 = tpu.vector_load %arg9[%swap3A_191] {strides = array<i32>} : memref<40xi32, #tpu.memory_space<vmem>>, vector<16xi32>,
    tpu.vector_store %arg9[%swap3A_191], %broadcast_in_dim3A_190 {strides = array<i32>} : memref<40xi32, #tpu.memory_space<vmem>>, vector<16xi32>,
    %broadcast_in_dim3A_193 = arith.constant 256 : i32
    %broadcast_in_dim3A_194 = vector.broadcast %broadcast_in_dim3A_193 : i32 to vector<16xi32>
    %swap3A_195 = arith.constant 24 : index
    %swap3A_196 = tpu.vector_load %arg10[%swap3A_195] {strides = array<i32>} : memref<40xi32, #tpu.memory_space<vmem>>, vector<16xi32>,
    tpu.vector_store %arg10[%swap3A_195], %broadcast_in_dim3A_194 {strides = array<i32>} : memref<40xi32, #tpu.memory_space<vmem>>, vector<16xi32>,
    %broadcast_in_dim3A_197 = arith.constant 0 : i32
    %broadcast_in_dim3A_198 = vector.broadcast %broadcast_in_dim3A_197 : i32 to vector<16xi32>
    %scan3A_199 = arith.constant 0 : i32
    %scan3A_200 = arith.constant 16 : i32
    %scan3A_201 = arith.addi %scan3A_199, %scan3A_200 : i32
    %scan3A_202 = arith.constant 1 : i32
    %scan3A_203 = scf.for %scan3A_215 = %scan3A_199 to %scan3A_201 step %scan3A_202 iter_args(%scan3A_216 = %broadcast_in_dim3A_198) -> (vector<16xi32>)  : i32 {
      %mul3A_217 = arith.constant 16 : i32
      %mul3A_218 = arith.muli %scan3A_215, %mul3A_217 : i32
      %get3A_219 = arith.index_cast %mul3A_218 : i32 to index
      %get3A_220 = tpu.vector_load %arg7[%get3A_219] {strides = array<i32>} : memref<256xf32, #tpu.memory_space<vmem>>, vector<16xf32>,
      %ge3A = arith.cmpf oge, %get3A_220, %get3A_169 : vector<16xf32>
      %mul3A_221 = arith.constant 16 : i32
      %mul3A_222 = arith.muli %scan3A_215, %mul3A_221 : i32
      %iota3A = tpu.iota {dimensions = array<i32: 0>} : vector<16xi32>
      %add3A_223 = vector.broadcast %mul3A_222 : i32 to vector<16xi32>
      %add3A_224 = arith.addi %add3A_223, %iota3A : vector<16xi32>
      %broadcast_in_dim3A_225 = arith.constant 1 : i32
      %broadcast_in_dim3A_226 = vector.broadcast %broadcast_in_dim3A_225 : i32 to vector<16xi32>
      %broadcast_in_dim3A_227 = arith.constant 0 : i32
      %broadcast_in_dim3A_228 = vector.broadcast %broadcast_in_dim3A_227 : i32 to vector<16xi32>
      %select_n3A = arith.select %ge3A, %broadcast_in_dim3A_226, %broadcast_in_dim3A_228 : vector<16xi1>, vector<16xi32>
      %broadcast_in_dim3A_229 = arith.constant true
      %broadcast_in_dim3A_230 = vector.broadcast %broadcast_in_dim3A_229 : i1 to vector<16xi1>
      %masked_cumsum3A = tpu.scan <sum>, %select_n3A masked %broadcast_in_dim3A_230 : vector<16xi32>, vector<16xi1> -> vector<16xi32>
      %add3A_231 = arith.addi %scan3A_216, %masked_cumsum3A : vector<16xi32>
      %sub3A = arith.constant 1 : i32
      %sub3A_232 = vector.broadcast %sub3A : i32 to vector<16xi32>
      %sub3A_233 = arith.subi %add3A_231, %sub3A_232 : vector<16xi32>
      %min3A = arith.constant 39 : i32
      %min3A_234 = vector.broadcast %min3A : i32 to vector<16xi32>
      %min3A_235 = arith.minsi %sub3A_233, %min3A_234 : vector<16xi32>
      tpu.vector_store_idx %arg10[%min3A_235], %add3A_224 masked %ge3A : memref<40xi32, #tpu.memory_space<vmem>>[vector<16xi32>], vector<16xi32>, vector<16xi1>
      %mul3A_236 = arith.constant 256 : i32
      %mul3A_237 = arith.muli %add3A_163, %mul3A_236 : i32
      %add3A_238 = vector.broadcast %mul3A_237 : i32 to vector<16xi32>
      %add3A_239 = arith.addi %add3A_224, %add3A_238 : vector<16xi32>
      tpu.vector_store_idx %arg9[%min3A_235], %add3A_239 masked %ge3A : memref<40xi32, #tpu.memory_space<vmem>>[vector<16xi32>], vector<16xi32>, vector<16xi1>
      %all_reduce_population_count3A = tpu.all_reduce %ge3A {dim = 0 : i64, kind = #tpu.reduction_kind<sum>} : vector<16xi1> -> vector<16xi32>
      %add3A_240 = arith.addi %scan3A_216, %all_reduce_population_count3A : vector<16xi32>
      %min3A_241 = arith.constant 40 : i32
      %min3A_242 = vector.broadcast %min3A_241 : i32 to vector<16xi32>
      %min3A_243 = arith.minsi %add3A_240, %min3A_242 : vector<16xi32>
      scf.yield %min3A_243 : vector<16xi32>
    }
    %scan3A_204 = arith.constant 16 : i32
    %dma_start3A_205 = arith.constant 0 : i32
    %dma_start3A_206 = arith.constant 0 : i32
    %dma_start3A_207 = tpu.memref_slice %arg2[%dma_start3A_205, %dma_start3A_206] : memref<32768x128xf32, #tpu.memory_space<hbm>> -> memref<32768x128xf32, #tpu.memory_space<hbm>>
    tpu.enqueue_indirect_dma source(%dma_start3A_207 : memref<32768x128xf32, #tpu.memory_space<hbm>>) target(%arg11 : memref<40x128xf32, #tpu.memory_space<vmem>>) offsets(%arg9 : memref<40xi32, #tpu.memory_space<vmem>>) semaphore(%arg12 : memref<!tpu.dma_semaphore, #tpu.memory_space<semaphore_mem>>)
    %dma_wait3A_208 = arith.constant 0 : i32
    %dma_wait3A_209 = arith.constant 0 : i32
    %dma_wait3A_210 = tpu.memref_slice %arg2[%dma_wait3A_208, %dma_wait3A_209] : memref<32768x128xf32, #tpu.memory_space<hbm>> -> memref<32768x128xf32, #tpu.memory_space<hbm>>
    tpu.wait_indirect_dma semaphore(%arg12 : memref<!tpu.dma_semaphore, #tpu.memory_space<semaphore_mem>>) src(%dma_wait3A_210 : memref<32768x128xf32, #tpu.memory_space<hbm>>) dst(%arg11 : memref<40x128xf32, #tpu.memory_space<vmem>>)
    %mul3A_211 = arith.constant 40 : i32
    %mul3A_212 = arith.muli %add3A_163, %mul3A_211 : i32
    "tpu.region"() ({
      %run_scoped3A = tpu.sem_alloc : memref<!tpu.dma_semaphore, #tpu.memory_space<semaphore_mem>>
      %dma_start3A_215 = arith.constant 0 : i32
      %dma_start3A_216 = tpu.memref_slice %arg5[%mul3A_212, %dma_start3A_215] : memref<5120x128xf32, #tpu.memory_space<hbm>> -> memref<40x128xf32, #tpu.memory_space<hbm>>
      %dma_start3A_217 = arith.constant 0 : i32
      %dma_start3A_218 = tpu.memref_slice %arg5[%mul3A_212, %dma_start3A_217] : memref<5120x128xf32, #tpu.memory_space<hbm>> -> memref<40x128xf32, #tpu.memory_space<hbm>>
      tpu.enqueue_dma source(%arg11 : memref<40x128xf32, #tpu.memory_space<vmem>>) target(%dma_start3A_218 : memref<40x128xf32, #tpu.memory_space<hbm>>) target_semaphore(%run_scoped3A : memref<!tpu.dma_semaphore, #tpu.memory_space<semaphore_mem>>)
      %dma_wait3A_219 = arith.constant 0 : i32
      %dma_wait3A_220 = tpu.memref_slice %arg5[%mul3A_212, %dma_wait3A_219] : memref<5120x128xf32, #tpu.memory_space<hbm>> -> memref<40x128xf32, #tpu.memory_space<hbm>>
      %dma_wait3A_221 = arith.constant 0 : i32
      %dma_wait3A_222 = tpu.memref_slice %arg5[%mul3A_212, %dma_wait3A_221] : memref<5120x128xf32, #tpu.memory_space<hbm>> -> memref<40x128xf32, #tpu.memory_space<hbm>>
      tpu.wait_dma2 semaphore(%run_scoped3A : memref<!tpu.dma_semaphore, #tpu.memory_space<semaphore_mem>>) src(%arg11 : memref<40x128xf32, #tpu.memory_space<vmem>>) dst(%dma_wait3A_222 : memref<40x128xf32, #tpu.memory_space<hbm>>)
      tpu.yield
    }) : () -> ()
    %mul3A_213 = arith.constant 40 : i32
    %mul3A_214 = arith.muli %add3A_163, %mul3A_213 : i32
    "tpu.region"() ({
      %run_scoped3A = tpu.sem_alloc : memref<!tpu.dma_semaphore, #tpu.memory_space<semaphore_mem>>
      %dma_start3A_215 = tpu.memref_slice %arg6[%mul3A_214] : memref<5120xi32, #tpu.memory_space<hbm>> -> memref<40xi32, #tpu.memory_space<hbm>>
      %dma_start3A_216 = tpu.memref_slice %arg6[%mul3A_214] : memref<5120xi32, #tpu.memory_space<hbm>> -> memref<40xi32, #tpu.memory_space<hbm>>
      tpu.enqueue_dma source(%arg10 : memref<40xi32, #tpu.memory_space<vmem>>) target(%dma_start3A_216 : memref<40xi32, #tpu.memory_space<hbm>>) target_semaphore(%run_scoped3A : memref<!tpu.dma_semaphore, #tpu.memory_space<semaphore_mem>>)
      %dma_wait3A_217 = tpu.memref_slice %arg6[%mul3A_214] : memref<5120xi32, #tpu.memory_space<hbm>> -> memref<40xi32, #tpu.memory_space<hbm>>
      %dma_wait3A_218 = tpu.memref_slice %arg6[%mul3A_214] : memref<5120xi32, #tpu.memory_space<hbm>> -> memref<40xi32, #tpu.memory_space<hbm>>
      tpu.wait_dma2 semaphore(%run_scoped3A : memref<!tpu.dma_semaphore, #tpu.memory_space<semaphore_mem>>) src(%arg10 : memref<40xi32, #tpu.memory_space<vmem>>) dst(%dma_wait3A_218 : memref<40xi32, #tpu.memory_space<hbm>>)
      tpu.yield
    }) : () -> ()
    return
  }
}

module attributes {stable_mosaic.version = 14 : i64} {
  func.func @_score_kernel(%arg0: i32, %arg1: memref<128x64xf32, #tpu.memory_space<vmem>>, %arg2: memref<2048x64xf32, #tpu.memory_space<vmem>>, %arg3: memref<1x2048xf32, #tpu.memory_space<vmem>>, %arg4: memref<1x2048xf32, #tpu.memory_space<vmem>>, %arg5: memref<128x16x128xf32, #tpu.memory_space<vmem>>, %arg6: memref<128x128xf32, #tpu.memory_space<vmem>>, %arg7: memref<1x16x128xf32, #tpu.memory_space<vmem>>, %arg8: memref<16x16x128xf32, #tpu.memory_space<vmem>>) attributes {dimension_semantics = [#tpu.dimension_semantics<arbitrary>], iteration_bounds = array<i64: 16>, scalar_prefetch = 0 : i64, scratch_operands = 1 : i64, tpu.core_type = #tpu.core_type<tc>, window_params = [{pipeline_mode = #tpu.pipeline_mode<synchronous>, transform_indices = @transform_0, window_bounds = array<i64: 128, 64>}, {transform_indices = @transform_1, window_bounds = array<i64: 2048, 64>}, {transform_indices = @transform_2, window_bounds = array<i64: 1, 2048>}, {transform_indices = @transform_3, window_bounds = array<i64: 1, 2048>}, {transform_indices = @transform_4, window_bounds = array<i64: 128, 16, 128>}, {pipeline_mode = #tpu.pipeline_mode<synchronous>, transform_indices = @transform_5, window_bounds = array<i64: 128, 128>}, {transform_indices = @transform_6, window_bounds = array<i64: 1, 16, 128>}]} {
    %get3A = arith.constant 0 : index
    %get3A_0 = arith.constant 0 : index
    %get3A_1 = vector.load %arg1[%get3A, %get3A_0] : memref<128x64xf32, #tpu.memory_space<vmem>>, vector<128x64xf32>
    %get3A_2 = arith.constant 0 : index
    %get3A_3 = arith.constant 0 : index
    %get3A_4 = vector.load %arg2[%get3A_2, %get3A_3] : memref<2048x64xf32, #tpu.memory_space<vmem>>, vector<2048x64xf32>
    %dot_general3A = arith.constant dense<0.000000e+00> : vector<128x2048xf32>
    %dot_general3A_5 = tpu.matmul %get3A_1, %get3A_4, %dot_general3A {dimension_numbers = #tpu.dot_dimension_numbers<[1], [1], [0], [0], [0, 0, 1, 0], [], []>, transpose_lhs_hint = false} : vector<128x64xf32>, vector<2048x64xf32>, vector<128x2048xf32> -> vector<128x2048xf32>
    %get3A_6 = arith.constant 0 : index
    %get3A_7 = arith.constant 0 : index
    %get3A_8 = vector.load %arg4[%get3A_6, %get3A_7] : memref<1x2048xf32, #tpu.memory_space<vmem>>, vector<1x2048xf32>
    %neg3A = arith.constant 0.000000e+00 : f32
    %neg3A_9 = vector.broadcast %neg3A : f32 to vector<1x2048xf32>
    %neg3A_10 = arith.subf %neg3A_9, %get3A_8 : vector<1x2048xf32>
    %exp3A = math.exp %neg3A_10 : vector<1x2048xf32>
    %add3A = arith.constant 1.000000e+00 : f32
    %add3A_11 = vector.broadcast %add3A : f32 to vector<1x2048xf32>
    %add3A_12 = arith.addf %add3A_11, %exp3A : vector<1x2048xf32>
    %div3A = arith.constant 1.000000e+00 : f32
    %div3A_13 = vector.broadcast %div3A : f32 to vector<1x2048xf32>
    %div3A_14 = arith.divf %div3A_13, %add3A_12 : vector<1x2048xf32>
    %get3A_15 = arith.constant 0 : index
    %get3A_16 = arith.constant 0 : index
    %get3A_17 = vector.load %arg3[%get3A_15, %get3A_16] : memref<1x2048xf32, #tpu.memory_space<vmem>>, vector<1x2048xf32>
    %add3A_18 = vector.broadcast %get3A_17 : vector<1x2048xf32> to vector<128x2048xf32>
    %add3A_19 = arith.addf %dot_general3A_5, %add3A_18 : vector<128x2048xf32>
    %max3A = arith.constant 0.000000e+00 : f32
    %max3A_20 = vector.broadcast %max3A : f32 to vector<128x2048xf32>
    %max3A_21 = arith.maximumf %add3A_19, %max3A_20 : vector<128x2048xf32>
    %mul3A = vector.broadcast %div3A_14 : vector<1x2048xf32> to vector<128x2048xf32>
    %mul3A_22 = arith.mulf %max3A_21, %mul3A : vector<128x2048xf32>
    %reshape3A = vector.shape_cast %mul3A_22 : vector<128x2048xf32> to vector<128x16x128xf32>
    %swap3A = arith.constant 0 : index
    %swap3A_23 = arith.constant 0 : index
    %swap3A_24 = arith.constant 0 : index
    %swap3A_25 = vector.load %arg5[%swap3A, %swap3A_23, %swap3A_24] : memref<128x16x128xf32, #tpu.memory_space<vmem>>, vector<128x16x128xf32>
    tpu.vector_store %arg5[%swap3A, %swap3A_23, %swap3A_24], %reshape3A {strides = array<i32>} : memref<128x16x128xf32, #tpu.memory_space<vmem>>, vector<128x16x128xf32>,
    %reduce_max3A = arith.constant dense<0xFF800000> : vector<128x16xf32>
    %reduce_max3A_26 = vector.multi_reduction <maximumf>, %reshape3A, %reduce_max3A [2] : vector<128x16x128xf32> to vector<128x16xf32>
    %transpose3A = tpu.transpose %reduce_max3A_26, [1, 0] : vector<128x16xf32> -> vector<16x128xf32>
    %swap3A_27 = arith.index_cast %arg0 : i32 to index
    %swap3A_28 = arith.constant 0 : index
    %swap3A_29 = arith.constant 0 : index
    %swap3A_30 = vector.load %arg8[%swap3A_27, %swap3A_28, %swap3A_29] : memref<16x16x128xf32, #tpu.memory_space<vmem>>, vector<1x16x128xf32>
    %swap3A_31 = vector.shape_cast %swap3A_30 : vector<1x16x128xf32> to vector<16x128xf32>
    %swap3A_32 = vector.shape_cast %transpose3A : vector<16x128xf32> to vector<1x16x128xf32>
    tpu.vector_store %arg8[%swap3A_27, %swap3A_28, %swap3A_29], %swap3A_32 {strides = array<i32>} : memref<16x16x128xf32, #tpu.memory_space<vmem>>, vector<1x16x128xf32>,
    %swap3A_33 = arith.constant 0 : index
    %swap3A_34 = arith.constant 0 : index
    %swap3A_35 = arith.constant 0 : index
    %swap3A_36 = vector.load %arg7[%swap3A_33, %swap3A_34, %swap3A_35] : memref<1x16x128xf32, #tpu.memory_space<vmem>>, vector<1x16x128xf32>
    %swap3A_37 = vector.shape_cast %swap3A_36 : vector<1x16x128xf32> to vector<16x128xf32>
    %swap3A_38 = vector.shape_cast %transpose3A : vector<16x128xf32> to vector<1x16x128xf32>
    tpu.vector_store %arg7[%swap3A_33, %swap3A_34, %swap3A_35], %swap3A_38 {strides = array<i32>} : memref<1x16x128xf32, #tpu.memory_space<vmem>>, vector<1x16x128xf32>,
    %eq3A = arith.constant 15 : i32
    %eq3A_39 = arith.cmpi eq, %arg0, %eq3A : i32
    %convert_element_type3A = arith.extui %eq3A_39 : i1 to i32
    %cond3A = arith.constant 0 : i32
    %cond3A_40 = arith.cmpi ne, %convert_element_type3A, %cond3A : i32
    scf.if %cond3A_40 {
      %broadcast_in_dim3A = arith.constant 0 : i32
      %broadcast_in_dim3A_41 = vector.broadcast %broadcast_in_dim3A : i32 to vector<1x128xi32>
      %scan3A = arith.constant 0 : i32
      %scan3A_42 = arith.constant 31 : i32
      %scan3A_43 = arith.addi %scan3A, %scan3A_42 : i32
      %scan3A_44 = arith.constant 1 : i32
      %scan3A_45 = scf.for %scan3A_53 = %scan3A to %scan3A_43 step %scan3A_44 iter_args(%scan3A_54 = %broadcast_in_dim3A_41) -> (vector<1x128xi32>)  : i32 {
        %sub3A = arith.constant 30 : i32
        %sub3A_55 = arith.subi %sub3A, %scan3A_53 : i32
        %shift_left3A = arith.constant 1 : i32
        %shift_left3A_56 = arith.shli %shift_left3A, %sub3A_55 : i32
        %or3A = vector.broadcast %shift_left3A_56 : i32 to vector<1x128xi32>
        %or3A_57 = arith.ori %scan3A_54, %or3A : vector<1x128xi32>
        %bitcast_convert_type3A_58 = tpu.bitcast %or3A_57 : vector<1x128xi32> -> vector<1x128xf32>
        %get3A_59 = arith.constant 0 : index
        %get3A_60 = arith.constant 0 : index
        %get3A_61 = arith.constant 0 : index
        %get3A_62 = vector.load %arg8[%get3A_59, %get3A_60, %get3A_61] : memref<16x16x128xf32, #tpu.memory_space<vmem>>, vector<16x16x128xf32>
        %broadcast_in_dim3A_63 = vector.shape_cast %bitcast_convert_type3A_58 : vector<1x128xf32> to vector<1x1x128xf32>
        %ge3A = vector.broadcast %broadcast_in_dim3A_63 : vector<1x1x128xf32> to vector<16x16x128xf32>
        %ge3A_64 = arith.cmpf oge, %get3A_62, %ge3A : vector<16x16x128xf32>
        %convert_element_type3A_65 = arith.extui %ge3A_64 : vector<16x16x128xi1> to vector<16x16x128xi32>
        %reduce_sum3A = arith.constant dense<0> : vector<128xi32>
        %reduce_sum3A_66 = vector.multi_reduction <add>, %convert_element_type3A_65, %reduce_sum3A [0, 1] : vector<16x16x128xi32> to vector<128xi32>
        %broadcast_in_dim3A_67 = vector.shape_cast %reduce_sum3A_66 : vector<128xi32> to vector<1x128xi32>
        %ge3A_68 = arith.constant 32 : i32
        %ge3A_69 = vector.broadcast %ge3A_68 : i32 to vector<1x128xi32>
        %ge3A_70 = arith.cmpi sge, %broadcast_in_dim3A_67, %ge3A_69 : vector<1x128xi32>
        %select_n3A = arith.select %ge3A_70, %or3A_57, %scan3A_54 : vector<1x128xi1>, vector<1x128xi32>
        scf.yield %select_n3A : vector<1x128xi32>
      }
      %scan3A_46 = arith.constant 31 : i32
      %bitcast_convert_type3A = tpu.bitcast %scan3A_45 : vector<1x128xi32> -> vector<1x128xf32>
      %transpose3A_47 = tpu.transpose %bitcast_convert_type3A, [1, 0] : vector<1x128xf32> -> vector<128x1xf32>
      %broadcast_in_dim3A_48 = vector.shape_cast %transpose3A_47 : vector<128x1xf32> to vector<128x1xf32>
      %broadcast_in_dim3A_49 = vector.broadcast %broadcast_in_dim3A_48 : vector<128x1xf32> to vector<128x128xf32>
      %swap3A_50 = arith.constant 0 : index
      %swap3A_51 = arith.constant 0 : index
      %swap3A_52 = vector.load %arg6[%swap3A_50, %swap3A_51] : memref<128x128xf32, #tpu.memory_space<vmem>>, vector<128x128xf32>
      tpu.vector_store %arg6[%swap3A_50, %swap3A_51], %broadcast_in_dim3A_49 {strides = array<i32>} : memref<128x128xf32, #tpu.memory_space<vmem>>, vector<128x128xf32>,
    } else {
    }
    return
  }
  func.func @transform_0(%arg0: i32) -> (i32, i32) {
    %c0_i32 = arith.constant 0 : i32
    %c0_i32_0 = arith.constant 0 : i32
    %c0_i32_1 = arith.constant 0 : i32
    return %c0_i32, %c0_i32_0 : i32, i32
  }
  func.func @transform_1(%arg0: i32) -> (i32, i32) {
    %c0_i32 = arith.constant 0 : i32
    %c0_i32_0 = arith.constant 0 : i32
    return %arg0, %c0_i32 : i32, i32
  }
  func.func @transform_2(%arg0: i32) -> (i32, i32) {
    %c0_i32 = arith.constant 0 : i32
    %c0_i32_0 = arith.constant 0 : i32
    return %c0_i32, %arg0 : i32, i32
  }
  func.func @transform_3(%arg0: i32) -> (i32, i32) {
    %c0_i32 = arith.constant 0 : i32
    %c0_i32_0 = arith.constant 0 : i32
    return %c0_i32, %arg0 : i32, i32
  }
  func.func @transform_4(%arg0: i32) -> (i32, i32, i32) {
    %c0_i32 = arith.constant 0 : i32
    %c0_i32_0 = arith.constant 0 : i32
    %c0_i32_1 = arith.constant 0 : i32
    return %c0_i32, %arg0, %c0_i32_0 : i32, i32, i32
  }
  func.func @transform_5(%arg0: i32) -> (i32, i32) {
    %c0_i32 = arith.constant 0 : i32
    %c0_i32_0 = arith.constant 0 : i32
    %c0_i32_1 = arith.constant 0 : i32
    return %c0_i32, %c0_i32_0 : i32, i32
  }
  func.func @transform_6(%arg0: i32) -> (i32, i32, i32) {
    %c0_i32 = arith.constant 0 : i32
    %c0_i32_0 = arith.constant 0 : i32
    %c0_i32_1 = arith.constant 0 : i32
    return %arg0, %c0_i32, %c0_i32_0 : i32, i32, i32
  }
}

module attributes {stable_mosaic.version = 14 : i64} {
  func.func @_mask_kernel(%arg0: i32, %arg1: memref<128x64xf32, #tpu.memory_space<vmem>>, %arg2: memref<2048x64xf32, #tpu.memory_space<vmem>>, %arg3: memref<1x2048xf32, #tpu.memory_space<vmem>>, %arg4: memref<1x2048xf32, #tpu.memory_space<vmem>>, %arg5: memref<128x40x128xf32, #tpu.memory_space<vmem>>, %arg6: memref<128x40xi32, #tpu.memory_space<vmem>>, %arg7: memref<128x128xf32, #tpu.memory_space<vmem>>, %arg8: memref<128x2048xf32, #tpu.memory_space<vmem>>, %arg9: memref<128x1xf32, #tpu.memory_space<vmem>>, %arg10: memref<128x1xi32, #tpu.memory_space<vmem>>, %arg11: memref<128x5120xf32, #tpu.memory_space<vmem>>, %arg12: memref<128x5120xi32, #tpu.memory_space<vmem>>) attributes {dimension_semantics = [#tpu.dimension_semantics<arbitrary>], iteration_bounds = array<i64: 16>, scalar_prefetch = 0 : i64, scratch_operands = 4 : i64, tpu.core_type = #tpu.core_type<tc>, window_params = [{pipeline_mode = #tpu.pipeline_mode<synchronous>, transform_indices = @transform_0, window_bounds = array<i64: 128, 64>}, {transform_indices = @transform_1, window_bounds = array<i64: 2048, 64>}, {transform_indices = @transform_2, window_bounds = array<i64: 1, 2048>}, {transform_indices = @transform_3, window_bounds = array<i64: 1, 2048>}, {pipeline_mode = #tpu.pipeline_mode<synchronous>, transform_indices = @transform_4, window_bounds = array<i64: 128, 40, 128>}, {pipeline_mode = #tpu.pipeline_mode<synchronous>, transform_indices = @transform_5, window_bounds = array<i64: 128, 40>}, {pipeline_mode = #tpu.pipeline_mode<synchronous>, transform_indices = @transform_6, window_bounds = array<i64: 128, 128>}, {transform_indices = @transform_7, window_bounds = array<i64: 128, 2048>}]} {
    %eq3A = arith.constant 0 : i32
    %eq3A_0 = arith.cmpi eq, %arg0, %eq3A : i32
    %convert_element_type3A = arith.extui %eq3A_0 : i1 to i32
    %cond3A = arith.constant 0 : i32
    %cond3A_1 = arith.cmpi ne, %convert_element_type3A, %cond3A : i32
    scf.if %cond3A_1 {
      %get3A_41 = arith.constant 0 : index
      %get3A_42 = arith.constant 0 : index
      %get3A_43 = vector.load %arg6[%get3A_41, %get3A_42] : memref<128x40xi32, #tpu.memory_space<vmem>>, vector<128x40xi32>
      %broadcast_in_dim3A_44 = vector.shape_cast %get3A_43 : vector<128x40xi32> to vector<128x40x1xi32>
      %get3A_45 = arith.constant 0 : index
      %get3A_46 = arith.constant 0 : index
      %get3A_47 = vector.load %arg7[%get3A_45, %get3A_46] : memref<128x128xf32, #tpu.memory_space<vmem>>, vector<128x1xf32>
      %broadcast_in_dim3A_48 = vector.shape_cast %get3A_47 : vector<128x1xf32> to vector<128x1x1xf32>
      %get3A_49 = arith.constant 0 : index
      %get3A_50 = arith.constant 0 : index
      %get3A_51 = arith.constant 0 : index
      %get3A_52 = vector.load %arg5[%get3A_49, %get3A_50, %get3A_51] : memref<128x40x128xf32, #tpu.memory_space<vmem>>, vector<128x40x128xf32>
      %lt3A = arith.constant 256 : i32
      %lt3A_53 = vector.broadcast %lt3A : i32 to vector<128x40x1xi32>
      %lt3A_54 = arith.cmpi slt, %broadcast_in_dim3A_44, %lt3A_53 : vector<128x40x1xi32>
      %ge3A = vector.broadcast %broadcast_in_dim3A_48 : vector<128x1x1xf32> to vector<128x40x128xf32>
      %ge3A_55 = arith.cmpf oge, %get3A_52, %ge3A : vector<128x40x128xf32>
      %and3A_56 = vector.broadcast %lt3A_54 : vector<128x40x1xi1> to vector<128x40x128xi1>
      %and3A_57 = arith.andi %and3A_56, %ge3A_55 : vector<128x40x128xi1>
      %jit3A_58 = arith.constant -1.000000e+00 : f32
      %broadcast_in_dim3A_59 = vector.broadcast %jit3A_58 : f32 to vector<128x40x128xf32>
      %select_n3A_60 = arith.select %and3A_57, %get3A_52, %broadcast_in_dim3A_59 : vector<128x40x128xi1>, vector<128x40x128xf32>
      %reshape3A = vector.shape_cast %select_n3A_60 : vector<128x40x128xf32> to vector<128x5120xf32>
      %swap3A_61 = arith.constant 0 : index
      %swap3A_62 = arith.constant 0 : index
      %swap3A_63 = vector.load %arg11[%swap3A_61, %swap3A_62] : memref<128x5120xf32, #tpu.memory_space<vmem>>, vector<128x5120xf32>
      tpu.vector_store %arg11[%swap3A_61, %swap3A_62], %reshape3A {strides = array<i32>} : memref<128x5120xf32, #tpu.memory_space<vmem>>, vector<128x5120xf32>,
      %broadcast_in_dim3A_64 = arith.constant 1.000000e+00 : f32
      %broadcast_in_dim3A_65 = vector.broadcast %broadcast_in_dim3A_64 : f32 to vector<5120x128xf32>
      %broadcast_in_dim3A_66 = arith.constant 0 : i32
      %broadcast_in_dim3A_67 = vector.broadcast %broadcast_in_dim3A_66 : i32 to vector<128x1xi32>
      %scan3A = arith.constant 0 : i32
      %scan3A_68 = arith.constant 31 : i32
      %scan3A_69 = arith.addi %scan3A, %scan3A_68 : i32
      %scan3A_70 = arith.constant 1 : i32
      %scan3A_71 = scf.for %scan3A_118 = %scan3A to %scan3A_69 step %scan3A_70 iter_args(%scan3A_119 = %broadcast_in_dim3A_67) -> (vector<128x1xi32>)  : i32 {
        %sub3A_120 = arith.constant 30 : i32
        %sub3A_121 = arith.subi %sub3A_120, %scan3A_118 : i32
        %shift_left3A = arith.constant 1 : i32
        %shift_left3A_122 = arith.shli %shift_left3A, %sub3A_121 : i32
        %or3A_123 = vector.broadcast %shift_left3A_122 : i32 to vector<128x1xi32>
        %or3A_124 = arith.ori %scan3A_119, %or3A_123 : vector<128x1xi32>
        %bitcast_convert_type3A_125 = tpu.bitcast %or3A_124 : vector<128x1xi32> -> vector<128x1xf32>
        %get3A_126 = arith.constant 0 : index
        %get3A_127 = arith.constant 0 : index
        %get3A_128 = vector.load %arg11[%get3A_126, %get3A_127] : memref<128x5120xf32, #tpu.memory_space<vmem>>, vector<128x5120xf32>
        %ge3A_129 = vector.broadcast %bitcast_convert_type3A_125 : vector<128x1xf32> to vector<128x5120xf32>
        %ge3A_130 = arith.cmpf oge, %get3A_128, %ge3A_129 : vector<128x5120xf32>
        %convert_element_type3A_131 = arith.extui %ge3A_130 : vector<128x5120xi1> to vector<128x5120xi32>
        %convert_element_type3A_132 = arith.sitofp %convert_element_type3A_131 : vector<128x5120xi32> to vector<128x5120xf32>
        %dot_general3A_133 = arith.constant dense<0.000000e+00> : vector<128x128xf32>
        %dot_general3A_134 = tpu.matmul %convert_element_type3A_132, %broadcast_in_dim3A_65, %dot_general3A_133 {dimension_numbers = #tpu.dot_dimension_numbers<[1], [0], [0], [1], [0, 0, 1, 1], [], []>, transpose_lhs_hint = false} : vector<128x5120xf32>, vector<5120x128xf32>, vector<128x128xf32> -> vector<128x128xf32>
        %slice3A_135 = vector.extract_strided_slice %dot_general3A_134 {offsets = [0, 0], sizes = [128, 1], strides = [1, 1]} : vector<128x128xf32> to vector<128x1xf32>
        %ge3A_136 = arith.constant 3.200000e+01 : f32
        %ge3A_137 = vector.broadcast %ge3A_136 : f32 to vector<128x1xf32>
        %ge3A_138 = arith.cmpf oge, %slice3A_135, %ge3A_137 : vector<128x1xf32>
        %select_n3A_139 = arith.select %ge3A_138, %or3A_124, %scan3A_119 : vector<128x1xi1>, vector<128x1xi32>
        scf.yield %select_n3A_139 : vector<128x1xi32>
      }
      %scan3A_72 = arith.constant 31 : i32
      %bitcast_convert_type3A = tpu.bitcast %scan3A_71 : vector<128x1xi32> -> vector<128x1xf32>
      %get3A_73 = arith.constant 0 : index
      %get3A_74 = arith.constant 0 : index
      %get3A_75 = vector.load %arg11[%get3A_73, %get3A_74] : memref<128x5120xf32, #tpu.memory_space<vmem>>, vector<128x5120xf32>
      %gt3A_76 = vector.broadcast %bitcast_convert_type3A : vector<128x1xf32> to vector<128x5120xf32>
      %gt3A_77 = arith.cmpf ogt, %get3A_75, %gt3A_76 : vector<128x5120xf32>
      %convert_element_type3A_78 = arith.extui %gt3A_77 : vector<128x5120xi1> to vector<128x5120xi32>
      %convert_element_type3A_79 = arith.sitofp %convert_element_type3A_78 : vector<128x5120xi32> to vector<128x5120xf32>
      %dot_general3A_80 = arith.constant dense<0.000000e+00> : vector<128x128xf32>
      %dot_general3A_81 = tpu.matmul %convert_element_type3A_79, %broadcast_in_dim3A_65, %dot_general3A_80 {dimension_numbers = #tpu.dot_dimension_numbers<[1], [0], [0], [1], [0, 0, 1, 1], [], []>, transpose_lhs_hint = false} : vector<128x5120xf32>, vector<5120x128xf32>, vector<128x128xf32> -> vector<128x128xf32>
      %slice3A = vector.extract_strided_slice %dot_general3A_81 {offsets = [0, 0], sizes = [128, 1], strides = [1, 1]} : vector<128x128xf32> to vector<128x1xf32>
      %sub3A = arith.constant 3.200000e+01 : f32
      %sub3A_82 = vector.broadcast %sub3A : f32 to vector<128x1xf32>
      %sub3A_83 = arith.subf %sub3A_82, %slice3A : vector<128x1xf32>
      %mul3A_84 = arith.constant 128 : i32
      %mul3A_85 = vector.broadcast %mul3A_84 : i32 to vector<128x40x1xi32>
      %mul3A_86 = arith.muli %broadcast_in_dim3A_44, %mul3A_85 : vector<128x40x1xi32>
      %iota3A_87 = tpu.iota {dimensions = array<i32: 2>} : vector<128x40x128xi32>
      %add3A_88 = vector.broadcast %mul3A_86 : vector<128x40x1xi32> to vector<128x40x128xi32>
      %add3A_89 = arith.addi %add3A_88, %iota3A_87 : vector<128x40x128xi32>
      %get3A_90 = arith.constant 0 : index
      %get3A_91 = arith.constant 0 : index
      %get3A_92 = vector.load %arg11[%get3A_90, %get3A_91] : memref<128x5120xf32, #tpu.memory_space<vmem>>, vector<128x5120xf32>
      %reshape3A_93 = vector.shape_cast %get3A_92 : vector<128x5120xf32> to vector<128x40x128xf32>
      %broadcast_in_dim3A_94 = vector.shape_cast %bitcast_convert_type3A : vector<128x1xf32> to vector<128x1x1xf32>
      %eq3A_95 = vector.broadcast %broadcast_in_dim3A_94 : vector<128x1x1xf32> to vector<128x40x128xf32>
      %eq3A_96 = arith.cmpf oeq, %reshape3A_93, %eq3A_95 : vector<128x40x128xf32>
      %jit3A_97 = arith.constant 1048576 : i32
      %broadcast_in_dim3A_98 = vector.broadcast %jit3A_97 : i32 to vector<128x40x128xi32>
      %select_n3A_99 = arith.select %eq3A_96, %add3A_89, %broadcast_in_dim3A_98 : vector<128x40x128xi1>, vector<128x40x128xi32>
      %reshape3A_100 = vector.shape_cast %select_n3A_99 : vector<128x40x128xi32> to vector<128x5120xi32>
      %swap3A_101 = arith.constant 0 : index
      %swap3A_102 = arith.constant 0 : index
      %swap3A_103 = vector.load %arg12[%swap3A_101, %swap3A_102] : memref<128x5120xi32, #tpu.memory_space<vmem>>, vector<128x5120xi32>
      tpu.vector_store %arg12[%swap3A_101, %swap3A_102], %reshape3A_100 {strides = array<i32>} : memref<128x5120xi32, #tpu.memory_space<vmem>>, vector<128x5120xi32>,
      %broadcast_in_dim3A_104 = arith.constant 0 : i32
      %broadcast_in_dim3A_105 = vector.broadcast %broadcast_in_dim3A_104 : i32 to vector<128x1xi32>
      %scan3A_106 = arith.constant 0 : i32
      %scan3A_107 = arith.constant 15 : i32
      %scan3A_108 = arith.addi %scan3A_106, %scan3A_107 : i32
      %scan3A_109 = arith.constant 1 : i32
      %scan3A_110 = scf.for %scan3A_118 = %scan3A_106 to %scan3A_108 step %scan3A_109 iter_args(%scan3A_119 = %broadcast_in_dim3A_105) -> (vector<128x1xi32>)  : i32 {
        %sub3A_120 = arith.constant 14 : i32
        %sub3A_121 = arith.subi %sub3A_120, %scan3A_118 : i32
        %shift_left3A = arith.constant 1 : i32
        %shift_left3A_122 = arith.shli %shift_left3A, %sub3A_121 : i32
        %or3A_123 = vector.broadcast %shift_left3A_122 : i32 to vector<128x1xi32>
        %or3A_124 = arith.ori %scan3A_119, %or3A_123 : vector<128x1xi32>
        %get3A_125 = arith.constant 0 : index
        %get3A_126 = arith.constant 0 : index
        %get3A_127 = vector.load %arg12[%get3A_125, %get3A_126] : memref<128x5120xi32, #tpu.memory_space<vmem>>, vector<128x5120xi32>
        %lt3A_128 = vector.broadcast %or3A_124 : vector<128x1xi32> to vector<128x5120xi32>
        %lt3A_129 = arith.cmpi slt, %get3A_127, %lt3A_128 : vector<128x5120xi32>
        %convert_element_type3A_130 = arith.extui %lt3A_129 : vector<128x5120xi1> to vector<128x5120xi32>
        %convert_element_type3A_131 = arith.sitofp %convert_element_type3A_130 : vector<128x5120xi32> to vector<128x5120xf32>
        %dot_general3A_132 = arith.constant dense<0.000000e+00> : vector<128x128xf32>
        %dot_general3A_133 = tpu.matmul %convert_element_type3A_131, %broadcast_in_dim3A_65, %dot_general3A_132 {dimension_numbers = #tpu.dot_dimension_numbers<[1], [0], [0], [1], [0, 0, 1, 1], [], []>, transpose_lhs_hint = false} : vector<128x5120xf32>, vector<5120x128xf32>, vector<128x128xf32> -> vector<128x128xf32>
        %slice3A_134 = vector.extract_strided_slice %dot_general3A_133 {offsets = [0, 0], sizes = [128, 1], strides = [1, 1]} : vector<128x128xf32> to vector<128x1xf32>
        %lt3A_135 = arith.cmpf olt, %slice3A_134, %sub3A_83 : vector<128x1xf32>
        %select_n3A_136 = arith.select %lt3A_135, %or3A_124, %scan3A_119 : vector<128x1xi1>, vector<128x1xi32>
        scf.yield %select_n3A_136 : vector<128x1xi32>
      }
      %scan3A_111 = arith.constant 15 : i32
      %swap3A_112 = arith.constant 0 : index
      %swap3A_113 = arith.constant 0 : index
      %swap3A_114 = vector.load %arg9[%swap3A_112, %swap3A_113] : memref<128x1xf32, #tpu.memory_space<vmem>>, vector<128x1xf32>
      tpu.vector_store %arg9[%swap3A_112, %swap3A_113], %bitcast_convert_type3A {strides = array<i32>} : memref<128x1xf32, #tpu.memory_space<vmem>>, vector<128x1xf32>,
      %swap3A_115 = arith.constant 0 : index
      %swap3A_116 = arith.constant 0 : index
      %swap3A_117 = vector.load %arg10[%swap3A_115, %swap3A_116] : memref<128x1xi32, #tpu.memory_space<vmem>>, vector<128x1xi32>
      tpu.vector_store %arg10[%swap3A_115, %swap3A_116], %scan3A_110 {strides = array<i32>} : memref<128x1xi32, #tpu.memory_space<vmem>>, vector<128x1xi32>,
    } else {
    }
    %get3A = arith.constant 0 : index
    %get3A_2 = arith.constant 0 : index
    %get3A_3 = vector.load %arg1[%get3A, %get3A_2] : memref<128x64xf32, #tpu.memory_space<vmem>>, vector<128x64xf32>
    %get3A_4 = arith.constant 0 : index
    %get3A_5 = arith.constant 0 : index
    %get3A_6 = vector.load %arg2[%get3A_4, %get3A_5] : memref<2048x64xf32, #tpu.memory_space<vmem>>, vector<2048x64xf32>
    %dot_general3A = arith.constant dense<0.000000e+00> : vector<128x2048xf32>
    %dot_general3A_7 = tpu.matmul %get3A_3, %get3A_6, %dot_general3A {dimension_numbers = #tpu.dot_dimension_numbers<[1], [1], [0], [0], [0, 0, 1, 0], [], []>, transpose_lhs_hint = false} : vector<128x64xf32>, vector<2048x64xf32>, vector<128x2048xf32> -> vector<128x2048xf32>
    %get3A_8 = arith.constant 0 : index
    %get3A_9 = arith.constant 0 : index
    %get3A_10 = vector.load %arg4[%get3A_8, %get3A_9] : memref<1x2048xf32, #tpu.memory_space<vmem>>, vector<1x2048xf32>
    %neg3A = arith.constant 0.000000e+00 : f32
    %neg3A_11 = vector.broadcast %neg3A : f32 to vector<1x2048xf32>
    %neg3A_12 = arith.subf %neg3A_11, %get3A_10 : vector<1x2048xf32>
    %exp3A = math.exp %neg3A_12 : vector<1x2048xf32>
    %add3A = arith.constant 1.000000e+00 : f32
    %add3A_13 = vector.broadcast %add3A : f32 to vector<1x2048xf32>
    %add3A_14 = arith.addf %add3A_13, %exp3A : vector<1x2048xf32>
    %div3A = arith.constant 1.000000e+00 : f32
    %div3A_15 = vector.broadcast %div3A : f32 to vector<1x2048xf32>
    %div3A_16 = arith.divf %div3A_15, %add3A_14 : vector<1x2048xf32>
    %get3A_17 = arith.constant 0 : index
    %get3A_18 = arith.constant 0 : index
    %get3A_19 = vector.load %arg3[%get3A_17, %get3A_18] : memref<1x2048xf32, #tpu.memory_space<vmem>>, vector<1x2048xf32>
    %add3A_20 = vector.broadcast %get3A_19 : vector<1x2048xf32> to vector<128x2048xf32>
    %add3A_21 = arith.addf %dot_general3A_7, %add3A_20 : vector<128x2048xf32>
    %max3A = arith.constant 0.000000e+00 : f32
    %max3A_22 = vector.broadcast %max3A : f32 to vector<128x2048xf32>
    %max3A_23 = arith.maximumf %add3A_21, %max3A_22 : vector<128x2048xf32>
    %mul3A = vector.broadcast %div3A_16 : vector<1x2048xf32> to vector<128x2048xf32>
    %mul3A_24 = arith.mulf %max3A_23, %mul3A : vector<128x2048xf32>
    %get3A_25 = arith.constant 0 : index
    %get3A_26 = arith.constant 0 : index
    %get3A_27 = vector.load %arg9[%get3A_25, %get3A_26] : memref<128x1xf32, #tpu.memory_space<vmem>>, vector<128x1xf32>
    %get3A_28 = arith.constant 0 : index
    %get3A_29 = arith.constant 0 : index
    %get3A_30 = vector.load %arg10[%get3A_28, %get3A_29] : memref<128x1xi32, #tpu.memory_space<vmem>>, vector<128x1xi32>
    %mul3A_31 = arith.constant 2048 : i32
    %mul3A_32 = arith.muli %arg0, %mul3A_31 : i32
    %iota3A = tpu.iota {dimensions = array<i32: 1>} : vector<128x2048xi32>
    %add3A_33 = vector.broadcast %mul3A_32 : i32 to vector<128x2048xi32>
    %add3A_34 = arith.addi %add3A_33, %iota3A : vector<128x2048xi32>
    %gt3A = vector.broadcast %get3A_27 : vector<128x1xf32> to vector<128x2048xf32>
    %gt3A_35 = arith.cmpf ogt, %mul3A_24, %gt3A : vector<128x2048xf32>
    %eq3A_36 = vector.broadcast %get3A_27 : vector<128x1xf32> to vector<128x2048xf32>
    %eq3A_37 = arith.cmpf oeq, %mul3A_24, %eq3A_36 : vector<128x2048xf32>
    %le3A = vector.broadcast %get3A_30 : vector<128x1xi32> to vector<128x2048xi32>
    %le3A_38 = arith.cmpi sle, %add3A_34, %le3A : vector<128x2048xi32>
    %and3A = arith.andi %eq3A_37, %le3A_38 : vector<128x2048xi1>
    %or3A = arith.ori %gt3A_35, %and3A : vector<128x2048xi1>
    %jit3A = arith.constant 0.000000e+00 : f32
    %broadcast_in_dim3A = vector.broadcast %jit3A : f32 to vector<128x2048xf32>
    %select_n3A = arith.select %or3A, %mul3A_24, %broadcast_in_dim3A : vector<128x2048xi1>, vector<128x2048xf32>
    %swap3A = arith.constant 0 : index
    %swap3A_39 = arith.constant 0 : index
    %swap3A_40 = vector.load %arg8[%swap3A, %swap3A_39] : memref<128x2048xf32, #tpu.memory_space<vmem>>, vector<128x2048xf32>
    tpu.vector_store %arg8[%swap3A, %swap3A_39], %select_n3A {strides = array<i32>} : memref<128x2048xf32, #tpu.memory_space<vmem>>, vector<128x2048xf32>,
    return
  }
  func.func @transform_0(%arg0: i32) -> (i32, i32) {
    %c0_i32 = arith.constant 0 : i32
    %c0_i32_0 = arith.constant 0 : i32
    %c0_i32_1 = arith.constant 0 : i32
    return %c0_i32, %c0_i32_0 : i32, i32
  }
  func.func @transform_1(%arg0: i32) -> (i32, i32) {
    %c0_i32 = arith.constant 0 : i32
    %c0_i32_0 = arith.constant 0 : i32
    return %arg0, %c0_i32 : i32, i32
  }
  func.func @transform_2(%arg0: i32) -> (i32, i32) {
    %c0_i32 = arith.constant 0 : i32
    %c0_i32_0 = arith.constant 0 : i32
    return %c0_i32, %arg0 : i32, i32
  }
  func.func @transform_3(%arg0: i32) -> (i32, i32) {
    %c0_i32 = arith.constant 0 : i32
    %c0_i32_0 = arith.constant 0 : i32
    return %c0_i32, %arg0 : i32, i32
  }
  func.func @transform_4(%arg0: i32) -> (i32, i32, i32) {
    %c0_i32 = arith.constant 0 : i32
    %c0_i32_0 = arith.constant 0 : i32
    %c0_i32_1 = arith.constant 0 : i32
    %c0_i32_2 = arith.constant 0 : i32
    return %c0_i32, %c0_i32_0, %c0_i32_1 : i32, i32, i32
  }
  func.func @transform_5(%arg0: i32) -> (i32, i32) {
    %c0_i32 = arith.constant 0 : i32
    %c0_i32_0 = arith.constant 0 : i32
    %c0_i32_1 = arith.constant 0 : i32
    return %c0_i32, %c0_i32_0 : i32, i32
  }
  func.func @transform_6(%arg0: i32) -> (i32, i32) {
    %c0_i32 = arith.constant 0 : i32
    %c0_i32_0 = arith.constant 0 : i32
    %c0_i32_1 = arith.constant 0 : i32
    return %c0_i32, %c0_i32_0 : i32, i32
  }
  func.func @transform_7(%arg0: i32) -> (i32, i32) {
    %c0_i32 = arith.constant 0 : i32
    %c0_i32_0 = arith.constant 0 : i32
    return %c0_i32, %arg0 : i32, i32
  }
}

</mosaic_0001>

<sc_bundles>
// kernel: kernel.5.cloned.1.call-start
scs
__scs_entry_jumppad:
0x0: {  	(pc) =	sbr.rel $0x88, $3  }
0x1: {  	(tag) =	ssettag $0x0;
	lr =	simm.s32 $0x1  }
0x2: {  	[smem:$0x3F9D] =	sst lr;
	_ =	strace $0xD0000000  }
0x3: {  	_ = 	snop  }
0x4: {  	_ = 	snop  }
0x5: {  	_ = 	snop  }
0x6: {  	_ = 	snop  }
0x7: {  	_ = 	snop  }
__scs_overlays_trampoline_lowered:
0x8: {  	[smem:$0x3FAC] =	sst s0  }
0x9: {  	[smem:$0x3FAD] =	sst s1  }
0xa: {  	[smem:$0x3FAE] =	sst s2  }
0xb: {  	[smem:$0x3FAF] =	sst s3  }
0xc: {  	[smem:$0x3FB0] =	sst s4  }
0xd: {  	[smem:$0x3FB1] =	sst s5  }
0xe: {  	[smem:$0x3FB2] =	sst s6  }
0xf: {  	[smem:$0x3FB3] =	sst s7  }
0x10: {  	[smem:$0x3FB4] =	sst s8  }
0x11: {  	[smem:$0x3FB5] =	sst s9;
	s0 =	simm.s32 @!p0 $0x0  }
0x12: {  	s1 =	sld [smem:$0x3F9B];
	s0 =	simm.s32 @p0 $0x1  }
0x13: {  	[smem:$0x3FB6] =	sst s0;
	s0 =	simm.s32 @!p1 $0x0  }
0x14: {  	s2 =	sld [smem:$0x3F9A];
	s0 =	simm.s32 @p1 $0x1  }
0x15: {  	[smem:$0x3FB7] =	sst s0;
	s0 =	simm.s32 @!p2 $0x0  }
0x16: {  	s3 =	sld [smem:$0x3FDB];
	s0 =	simm.s32 @p2 $0x1  }
0x17: {  	s4 =	simm.s32 $0x1BF5;
	[smem:$0x3FB9] =	sst s0  }
0x18: {  	s0 =	sld [smem:$0x3F9C];
	_ =	swait.ge [sflag:s4], $0x0  }
0x19: {  	s7 =	sld [smem:$0x3F9D]  }
0x1a: {  	s8 =	sadd.s32 $0xFFFFE003, lr  }
0x1b: {  	s9 =	sadd.s32 $0xFFFFFEF7, lr;
	s5 =	simm.s32 $0xFFFFFFFF;
	p2 =	slt.u32 s8, $0xFFFFF086  }
0x1c: {  	p1 =	slt.u32 s9, $0xF7A;
	s5 =	simm.s32 @!p2 $0x0  }
0x1d: {  	s5 =	simm.s32 @p1 $0x1;
	p0 =	seq.s32 s7, s2  }
0x1e: {  	s7 =	smul.u32 @!p0 $0xF7A, s2;
	p2 =	seq.s32 @!p0 s5, $0x0  }
0x1f: {  	s9 =	smul.u32 $0xF7A, s1;
	s8 =	simm.s32 @!p0 $0x1BF5;
	p2 =	por !p2, p0  }
0x20: {  	[sflag:s8] =	ssyncset.s32 @!p0 $0xFFFFF086;
	s6 =	sadd.s32 @!p0 s3, s7;
	s7 =	simm.s32 @!p0 $0x108  }
0x21: {  	s3 =	sadd.s32 s3, s9;
	s6 =	sadd.s32 @!p0 $0x88, s6;
	s7 =	simm.s32 @p2 $0x1082  }
0x22: {  	[simem:s7], [sflag:s8] =	dma.local @!p0 [hbm:s6], $0xF7A  }
0x23: {  	s9 =	sor.u32 $0xD0000000, s2;
	s6 =	simm.s32 $0x108;
	_ =	swait.ge @!p0 [sflag:s8], $0x0  }
0x24: {  	s3 =	sadd.s32 $0x88, s3;
	s6 =	simm.s32 @!p1 $0x1082;
	[sflag:s4] =	ssyncset.s32 $0xFFFFF086  }
0x25: {  	[simem:s6], [sflag:s4] =	dma.local [hbm:s3], $0xF7A  }
0x26: {  	[smem:$0x3F9D] =	sst s1;
	(tag) =	ssettag s2;
	_ =	strace s9  }
0x27: {  	s1 =	sld [smem:$0x3FAD]  }
0x28: {  	s2 =	sld [smem:$0x3FAE]  }
0x29: {  	s4 =	sld [smem:$0x3FB0]  }
0x2a: {  	p0 =	seq.s32 s5, $0x0;
	s5 =	sld [smem:$0x3FB1]  }
0x2b: {  	s6 =	sld [smem:$0x3FB2]  }
0x2c: {  	s7 =	sld [smem:$0x3FB3]  }
0x2d: {  	s3 =	simm.s32 $0x108;
	s8 =	sld [smem:$0x3FB4]  }
0x2e: {  	s3 =	simm.s32 @!p0 $0x1082;
	s9 =	sld [smem:$0x3FB5]  }
0x2f: {  	lr =	sadd.s32 s0, s3;
	s0 =	sld [smem:$0x3FAC]  }
0x30: {  	s3 =	sld [smem:$0x3FAF]  }
0x31: {  	[smem:$0x3FB8] =	sst s10  }
0x32: {  	s10 =	sld [smem:$0x3FB6];
	_ =	sdelay $0x3  }
0x33: {  	p0 =	seq.s32 s10, $0x1;
	s10 =	sld [smem:$0x3FB8];
	_ =	sdelay $0x3  }
0x34: {  	[smem:$0x3FB8] =	sst s10  }
0x35: {  	s10 =	sld [smem:$0x3FB7];
	_ =	sdelay $0x3  }
0x36: {  	p1 =	seq.s32 s10, $0x1;
	s10 =	sld [smem:$0x3FB8];
	_ =	sdelay $0x3  }
0x37: {  	[smem:$0x3FB8] =	sst s10  }
0x38: {  	s10 =	sld [smem:$0x3FB9]  }
0x39: {  	_ = 	snop;
	(pc) =	sbr.ind lr, $3  }
0x3a: {  	_ = 	snop  }
0x3b: {  	_ = 	snop  }
0x3c: {  	p2 =	seq.s32 s10, $0x1;
	s10 =	sld [smem:$0x3FB8]  }
0x3d: {  	_ =	shalt  }
0x3e: {  	_ =	shalt  }
0x3f: {  	_ =	shalt  }
0x40: {  	_ =	shalt  }
0x41: {  	_ =	shalt  }
0x42: {  	_ =	shalt  }
0x43: {  	_ =	shalt  }
0x44: {  	_ =	shalt  }
0x45: {  	_ =	shalt  }
0x46: {  	_ =	shalt  }
0x47: {  	_ =	shalt  }
0x48: {  	_ =	shalt  }
0x49: {  	_ =	shalt  }
0x4a: {  	_ =	shalt  }
0x4b: {  	_ =	shalt  }
0x4c: {  	_ =	shalt  }
0x4d: {  	_ =	shalt  }
0x4e: {  	_ =	shalt  }
0x4f: {  	_ =	shalt  }
0x50: {  	_ =	shalt  }
0x51: {  	_ =	shalt  }
0x52: {  	_ =	shalt  }
0x53: {  	_ =	shalt  }
0x54: {  	_ =	shalt  }
0x55: {  	_ =	shalt  }
0x56: {  	_ =	shalt  }
0x57: {  	_ =	shalt  }
0x58: {  	_ =	shalt  }
0x59: {  	_ =	shalt  }
0x5a: {  	_ =	shalt  }
0x5b: {  	_ =	shalt  }
0x5c: {  	_ =	shalt  }
0x5d: {  	_ =	shalt  }
0x5e: {  	_ =	shalt  }
0x5f: {  	_ =	shalt  }
0x60: {  	_ =	shalt  }
0x61: {  	_ =	shalt  }
0x62: {  	_ =	shalt  }
0x63: {  	_ =	shalt  }
0x64: {  	_ =	shalt  }
0x65: {  	_ =	shalt  }
0x66: {  	_ =	shalt  }
0x67: {  	_ =	shalt  }
0x68: {  	_ =	shalt  }
0x69: {  	_ =	shalt  }
0x6a: {  	_ =	shalt  }
0x6b: {  	_ =	shalt  }
0x6c: {  	_ =	shalt  }
0x6d: {  	_ =	shalt  }
0x6e: {  	_ =	shalt  }
0x6f: {  	_ =	shalt  }
0x70: {  	_ =	shalt  }
0x71: {  	_ =	shalt  }
0x72: {  	_ =	shalt  }
0x73: {  	_ =	shalt  }
0x74: {  	_ =	shalt  }
0x75: {  	_ =	shalt  }
0x76: {  	_ =	shalt  }
0x77: {  	_ =	shalt  }
0x78: {  	_ =	shalt  }
0x79: {  	_ =	shalt  }
0x7a: {  	_ =	shalt  }
0x7b: {  	_ =	shalt  }
0x7c: {  	_ =	shalt  }
0x7d: {  	_ =	shalt  }
0x7e: {  	_ =	shalt  }
0x7f: {  	_ =	shalt  }
0x80: {  	_ =	shalt  }
0x81: {  	_ =	shalt  }
0x82: {  	_ =	shalt  }
0x83: {  	_ =	shalt  }
0x84: {  	_ =	shalt  }
0x85: {  	_ =	shalt  }
0x86: {  	_ =	shalt  }
0x87: {  	_ =	shalt  }
.Lfunc_end0:
.L_simem_size_0:
called_computation_lowered:
.L_overlay_start_0:
0x88: {  	s2 =	sld [smem:$0x3FD9]  }
0x89: {  	s3 =	sld [smem:$0x3FFE];
	_ =	sdelay $0x1  }
0x8a: {  	s1 =	srdreg.scid  }
0x8b: {  	s0 =	sand.u32 $0x1, s1  }
0x8c: {  	s16 =	sshll.u32 s0, $0xA;
	s2 =	sadd.s32 s3, s2  }
0x8d: {  	s2 =	sadd.s32 s2, s16  }
0x8e: {  	[smem:$0x3FC4] =	sst s2  }
0x8f: {  	_ = 	snop  }
0x90: {  	(tm) =	ssettm $0x1  }
0x91: {  	s17 =	sld [smem:$0x3FFB];
	_ =	sdelay $0x3  }
0x92: {  	_ =	strace s17  }
0x93: {  	s2 =	sld [smem:$0x3FFC];
	_ =	sdelay $0x3  }
0x94: {  	_ =	strace s2  }
0x95: {  	s2 =	sld [smem:$0x3FFD];
	_ =	sdelay $0x3  }
0x96: {  	_ =	strace s2  }
0x97: {  	_ =	strace $0x8FFFFFFF  }
0x98: {  	s18 =	sld [smem:$0x3FDB];
	_ =	sdelay $0x1  }
0x99: {  	s19 =	simm.s32 $_scs_section_size  }
0x9a: {  	s4 =	simm.s32 $_size__tile_overlayer_lowered;
	s5 =	simm.s32 $_tile_overlayer_lowered  }
0x9b: {  	s22 =	simm.s32 $0x1BFF;
	s21 =	sshll.u32 s5, $0x1;
	s2 =	sadd.s32 s19, s18  }
0x9c: {  	s6 =	simm.s32 $0x0;
	s20 =	sshll.u32 s4, $0x1;
	s4 =	sadd.s32 s21, s2  }
0x9d: {  	[timem:s6], [sflag:s22] =	dma.local [hbm:s4], s20  }
0x9e: {  	_ =	swait.ge [sflag:s22], s20  }
0x9f: {  	s3 =	ssub.s32 $0x0, s20;
	[sflag:s22] =	ssyncset.done $0x0  }
0xa0: {  	[sflag:s22] =	ssyncadd.s32 s3;
	_ =	sdelay $0x1  }
0xa1: {  	s23 =	simm.s32 $0x1B8B  }
0xa2: {  	_ =	swait.ge [sflag:s23], $0x1  }
0xa3: {  	[sflag:s23] =	ssyncset.done $0x0  }
0xa4: {  	s25 =	simm.s32 $0x1B8E;
	s24 =	sld [smem:$0x3FFE];
	[sflag:s23] =	ssyncadd.s32 $0xFFFFFFFF  }
0xa5: {  	s26 =	simm.s32 $execute0_lowered;
	[smem:$0x3FD2] =	sst s25  }
0xa6: {  	s4 =	sshll.u32 s26, $0x1;
	_ =	strace $0x80000046;
	[dreg:$0x1] =	wrdreg $0xFFFFFFFF  }
0xa7: {  	s28 =	simm.s32 $_size_execute0_lowered;
	s2 =	sadd.s32 s2, s4;
	[dreg:$0x0] =	wrdreg $0x0  }
0xa8: {  	s4 =	sshll.u32 s28, $0x1;
	[dreg:$0x2] =	wrdreg s2  }
0xa9: {  	[dreg:$0x3] =	wrdreg s4  }
0xaa: {  	[dreg:$0x4] =	wrdreg $0xC0  }
0xab: {  	_ =	task [dreg:s6], $0x5FFFF  }
0xac: {  	[dreg:$0x1] =	wrdreg $0xFFFFFFFF  }
0xad: {  	[dreg:$0x0] =	wrdreg $0x60  }
0xae: {  	[dreg:$0x2] =	wrdreg s24  }
0xaf: {  	[dreg:$0x3] =	wrdreg $0x9  }
0xb0: {  	_ =	task.clear_ibuf [dreg:s6], $0x4FFFF;
	_ =	strace $0x90000046  }
0xb1: {  	s29 =	simm.s32 $0x9;
	_ =	strace $0x80000048  }
0xb2: {  	_ =	swait.ge [sflag:s29], $0x1  }
0xb3: {  	[sflag:s29] =	ssyncadd.s32 $0xFFFFFFFF  }
0xb4: {  	_ =	strace $0x90000048  }
0xb5: {  	_ =	sfence  }
0xb6: {  	s30 =	sld [smem:$0x0];
	_ =	sdelay $0x2  }
0xb7: {  	s31 =	sshll.u32 s1, $0xD;
	s1 =	sshrl.u32 s1, $0x2  }
0xb8: {  	s3 =	sand.u32 $0x4000, s31;
	s1 =	sadd.s32 s1, s30  }
0xb9: {  	s0 =	sor.u32 s3, s0;
	s1 =	sshll.u32 s1, $0x11  }
0xba: {  	s0 =	sor.u32 s1, s0  }
0xbb: {  	s0 =	sadd.s32 $0x8F2B, s0  }
0xbc: {  	[sflag:s0] =	ssyncadd.remote.s32 $0x1  }
0xbd: {  	_ =	sfence.sel $0xFFFF  }
0xbe: {  	[dreg:$0x0] =	wrdreg $0xFFFFFFFF;
	(pc) =	sbr.abs _section_cstart, $3  }
0xbf: {  	[dreg:$0x1] =	wrdreg $0xFFFFFFFF  }
0xc0: {  	_ =	task.clear_ibuf [dreg:s6], $0x2FFFF;
	_ =	strace $0x9FFFFFFF  }
0xc1: {  	(tm) =	ssettm $0x7FFFFFFF  }
tec
execute0_lowered:
.L_overlay_start_1:
0x0: {  	(tag) =	ssettag $0x1  }
0x1: {  	s4 =	rddreg [dreg:$0x0];
	s1 =	simm.s32 $0x0;
	s5 =	srdreg.scid  }
0x2: {  	s2 =	stileid.u32;
	[smem:$0x7FF] =	sst s1;
	s3 =	sadd.s32 $0x2600, s4  }
0x3: {  	s12 =	sadd.s32 $0x82E00, s4;
	s5 =	sand.u32 $0x1, s5;
	s14 =	sadd.s32 $0x82600, s4  }
0x4: {  	s7 =	sshll.u32 s2, $0x1;
	s16 =	sadd.s32 $0x84200, s4;
	s19 =	sadd.s32 $0x83E00, s4  }
0x5: {  	_ =	strace $0x80000047;
	s6 =	ssub.s32 $0x2, s5;
	s13 =	sor.u32 s5, s7  }
0x6: {  	s8 =	sshrl.u32 s6, $0x1;
	s25 =	sshll.u32 s13, $0x7;
	s26 =	smul.u32 $0xA00, s13  }
0x7: {  	s21 =	sshll.u32 s13, $0xA;
	s5 =	sshll.u32 s13, $0x6;
	s7 =	smul.u32 $0x14, s13  }
0x8: {  	s9 =	sshll.u32 s13, $0x2;
	s23 =	sshllo.u32 s13, $0x2;
	s20 =	ssub.s32 s6, s8  }
0x9: {  	s4 =	sadd.s32 s12, s25;
	s5 =	sadd.s32 s14, s5;
	s17 =	sor.u32 $0x1, s9  }
0xa: {  	v1 =	vlaneseq.u32;
	s18 =	sor.u32 $0x2, s9;
	s24 =	sshll.u32 s23, $0x5;
	s25 =	smul.u32 $0x280, s23  }
0xb: {  	v0 =	vmov s21;
	s29 =	sshll.u32 s23, $0x8;
	v2 =	vor.u32 s21, v1;
	s21 =	simm.s32 $0x2;
	s6 =	sadd.s32 s16, s26  }
0xc: {  	s7 =	sadd.s32 s19, s7;
	s30 =	sshll.u32 s17, $0x5;
	s10 =	smul.u32 $0x280, s17  }
0xd: {  	s11 =	sshll.u32 s17, $0x4;
	s31 =	sshll.u32 s18, $0x5;
	s22 =	smul.u32 $0x5, s17  }
0xe: {  	s0 =	sshll.u32 s18, $0x4;
	s15 =	smul.u32 $0x280, s18;
	s26 =	sshll.u32 s23, $0x4  }
0xf: {  	s28 =	sshll.u32 s18, $0x8;
	s20 =	smax.u32 s20, $0x1;
	v7 =	vmov s29;
	v8 =	vor.u32 s29, v1;
	s29 =	simm.s32 $0x0  }
0x10: {  	s8 =	sadd.s32 s12, s30;
	s9 =	sadd.s32 s14, s11;
	s11 =	sadd.s32 s12, s31  }
0x11: {  	s12 =	sadd.s32 s12, s24;
	s13 =	sadd.s32 s14, s0;
	s30 =	smul.u32 $0x5, s18  }
0x12: {  	s14 =	sadd.s32 s14, s26;
	s31 =	smul.u32 $0x5, s23;
	s26 =	sshll.u32 s17, $0x8  }
0x13: {  	v5 =	vmov s28;
	v6 =	vor.u32 s28, v1;
	s23 =	simm.s32 $0x200;
	s24 =	simm.s32 $0x180;
	s28 =	simm.s32 $0x1  }
0x14: {  	s10 =	sadd.s32 s16, s10;
	s15 =	sadd.s32 s16, s15;
	s16 =	sadd.s32 s16, s25  }
0x15: {  	v9 =	vimm.s32 $0x100;
	s17 =	sadd.s32 s19, s22;
	s22 =	simm.s32 $0x100;
	s25 =	simm.s32 $0x28  }
0x16: {  	v10 =	vimm.s32 $0x0;
	v3 =	vmov s26;
	v4 =	vor.u32 s26, v1;
	s26 =	simm.s32 $0x280;
	s18 =	sadd.s32 s19, s30;
	s19 =	sadd.s32 s19, s31  }
.LBB2_1:
0x17: {  	[tilespmem:s1], [sflag:$0x2] =	stream.linear.gather [hbm4b:s4+s1], $0x100, $0x38;
	[tilespmem:$0x1680] =	vst v63  }
0x18: {  	_ =	swait.ge [sflag:s21], $0x100  }
0x19: {  	[sflag:s21] =	ssyncset.done $0x0  }
0x1a: {  	[sflag:s21] =	ssyncadd.s32 $0xFFFFFF00  }
0x1b: {  	[tilespmem:s22], [sflag:$0x2] =	stream.linear.gather [hbm4b:s5+s1], $0x10, $0x38;
	[tilespmem:$0x1680] =	vst v63  }
0x1c: {  	_ =	swait.ge [sflag:s21], $0x10  }
0x1d: {  	[sflag:s21] =	ssyncset.done $0x0  }
0x1e: {  	[sflag:s21] =	ssyncadd.s32 $0xFFFFFFF0  }
0x1f: {  	[tilespmem:$0x180] =	vst v0  }
0x20: {  	[tilespmem:$0x200] =	vst v9  }
0x21: {  	[tilespmem:$0x190] =	vst v0  }
0x22: {  	[tilespmem:$0x210] =	vst v9  }
0x23: {  	[tilespmem:$0x198] =	vst v0  }
0x24: {  	v11 =	vld [tilespmem:$0x100];
	[tilespmem:$0x218] =	vst v9  }
0x25: {  	v12 =	vld [tilespmem:s1+$0x0];
	_ =	sdelay $0x4  }
0x26: {  	vm0 =	vge.f32 v12, v11  }
0x27: {  	v12 =	vsel vm0, $0x1, v10  }
0x28: {  	(xrf0) =	vadd.scan.msk.s32 $0xffff, v12;
	_ =	sdelay $0x5  }
0x29: {  	v12, _, _ =	vpop (xrf0)  }
0x2a: {  	v12 =	vadd.s32 v12, v10  }
0x2b: {  	v12 =	vadd.s32 $0xFFFFFFFF, v12  }
0x2c: {  	vm1 =	vlt.s32 v12, $0x27  }
0x2d: {  	v13 =	vnsel vm1, $0x27, v12  }
0x2e: {  	v12 =	vmpcnt.ones.xlane vm0;
	_ =	sdelay $0x1  }
0x2f: {  	v12 =	vadd.s32 v10, v12  }
0x30: {  	v14 =	vor.u32 s1, v1;
	vm1 =	vlt.s32 v12, $0x28  }
0x31: {  	s30 =	simm.s32 $0x10;
	s31 =	simm.s32 $0x0;
	v12 =	vnsel vm1, $0x28, v12;
	[tilespmem:v13+s23+$0x0] =	vst.idx.msk vm0, v14;
	v14 =	vor.u32 s1, v2  }
.LBB2_2:
0x32: {  	p0 =	sne.s32 s30, $0xF0  }
0x33: {  	[tilespmem:v13+s24+$0x0] =	vst.idx.msk vm0, v14;
	s31 =	sadd.s32 $0x10, s31;
	v13 =	vmov v12;
	s0 =	smov.u32 s30;
	s30 =	sadd.s32 $0x10, s30  }
0x34: {  	v14 =	vld [tilespmem:s31+$0x0];
	_ =	sdelay $0x4  }
0x35: {  	vm0 =	vge.f32 v14, v11  }
0x36: {  	v14 =	vsel vm0, $0x1, v10;
	v15 =	vmpcnt.ones.xlane vm0  }
0x37: {  	(xrf0) =	vadd.scan.msk.s32 $0xffff, v14  }
0x38: {  	v12 =	vadd.s32 v12, v15  }
0x39: {  	vm1 =	vlt.s32 v12, $0x28  }
0x3a: {  	v12 =	vnsel vm1, $0x28, v12;
	_ =	sdelay $0x2  }
0x3b: {  	v14, _, _ =	vpop (xrf0)  }
0x3c: {  	v13 =	vadd.s32 v14, v13  }
0x3d: {  	v13 =	vadd.s32 $0xFFFFFFFF, v13  }
0x3e: {  	vm1 =	vlt.s32 v13, $0x27  }
0x3f: {  	v13 =	vnsel vm1, $0x27, v13  }
.Ltmp0:
0x40: {  	(pc) =	sbr.rel @p0 .LBB2_2-.Ltmp0, $3  }
0x41: {  	_ =	sdelay $0x1  }
0x42: {  	v14 =	vor.u32 s0, v1  }
0x43: {  	[tilespmem:v13+s23+$0x0] =	vst.idx.msk vm0, v14;
	v14 =	vor.u32 s0, v2  }
0x44: {  	_ =	sdelay $0x4  }
0x45: {  	[tilespmem:v13+s24+$0x0] =	vst.idx.msk vm0, v14  }
0x46: {  	[tilespmem:s26], [sflag:$0x1] =	stream.indirect.gather [hbm4b:s3+s25], $0x80, s24, s25, $0xb8;
	[tilespmem:$0x1680] =	vst v63  }
0x47: {  	_ =	swait.ge [sflag:s28], $0x1400  }
0x48: {  	[sflag:s28] =	ssyncset.done $0x0  }
0x49: {  	s30 =	simm.s32 $0x0;
	[sflag:s28] =	ssyncadd.s32 $0xFFFFEC00  }
0x4a: {  	[hbm4b:s6+s30] =	stream.linear.scatter [tilespmem:s26], [sflag:$0x2], $0x1400, $0x38;
	[tilespmem:$0x1680] =	vst v63  }
0x4b: {  	_ =	swait.ge [sflag:s21], $0x1400  }
0x4c: {  	[sflag:s21] =	ssyncset.done $0x0  }
0x4d: {  	[sflag:s21] =	ssyncadd.s32 $0xFFFFEC00  }
0x4e: {  	[hbm4b:s7+s30] =	stream.linear.scatter [tilespmem:s23], [sflag:$0x2], $0x28, $0x38;
	[tilespmem:$0x1680] =	vst v63  }
0x4f: {  	_ =	swait.ge [sflag:s21], $0x28  }
0x50: {  	[sflag:s21] =	ssyncset.done $0x0  }
0x51: {  	[sflag:s21] =	ssyncadd.s32 $0xFFFFFFD8  }
0x52: {  	[tilespmem:s30], [sflag:$0x2] =	stream.linear.gather [hbm4b:s8+s30], $0x100, $0x38;
	[tilespmem:$0x1680] =	vst v63  }
0x53: {  	_ =	swait.ge [sflag:s21], $0x100  }
0x54: {  	[sflag:s21] =	ssyncset.done $0x0  }
0x55: {  	[sflag:s21] =	ssyncadd.s32 $0xFFFFFF00  }
0x56: {  	[tilespmem:s22], [sflag:$0x2] =	stream.linear.gather [hbm4b:s9+s30], $0x10, $0x38;
	[tilespmem:$0x1680] =	vst v63  }
0x57: {  	_ =	swait.ge [sflag:s21], $0x10  }
0x58: {  	[sflag:s21] =	ssyncset.done $0x0  }
0x59: {  	[sflag:s21] =	ssyncadd.s32 $0xFFFFFFF0  }
0x5a: {  	[tilespmem:$0x180] =	vst v3  }
0x5b: {  	[tilespmem:$0x200] =	vst v9  }
0x5c: {  	[tilespmem:$0x190] =	vst v3  }
0x5d: {  	[tilespmem:$0x210] =	vst v9  }
0x5e: {  	[tilespmem:$0x198] =	vst v3  }
0x5f: {  	v11 =	vld [tilespmem:$0x100];
	[tilespmem:$0x218] =	vst v9  }
0x60: {  	v12 =	vld [tilespmem:s30+$0x0];
	_ =	sdelay $0x4  }
0x61: {  	vm0 =	vge.f32 v12, v11  }
0x62: {  	v12 =	vsel vm0, $0x1, v10  }
0x63: {  	(xrf0) =	vadd.scan.msk.s32 $0xffff, v12;
	_ =	sdelay $0x5  }
0x64: {  	v12 =	vimm.s32 $0x0;
	v13, _, _ =	vpop (xrf0)  }
0x65: {  	v13 =	vadd.s32 v13, v12  }
0x66: {  	v13 =	vadd.s32 $0xFFFFFFFF, v13  }
0x67: {  	vm1 =	vlt.s32 v13, $0x27  }
0x68: {  	v13 =	vnsel vm1, $0x27, v13  }
0x69: {  	v14 =	vmpcnt.ones.xlane vm0;
	_ =	sdelay $0x1  }
0x6a: {  	v12 =	vadd.s32 v12, v14  }
0x6b: {  	v14 =	vor.u32 s30, v1;
	vm1 =	vlt.s32 v12, $0x28  }
0x6c: {  	s31 =	simm.s32 $0x10;
	v12 =	vnsel vm1, $0x28, v12;
	[tilespmem:v13+s23+$0x0] =	vst.idx.msk vm0, v14;
	v14 =	vor.u32 s30, v4  }
.LBB2_4:
0x6d: {  	p0 =	sne.s32 s31, $0xF0  }
0x6e: {  	[tilespmem:v13+s24+$0x0] =	vst.idx.msk vm0, v14;
	s30 =	sadd.s32 $0x10, s30;
	v13 =	vmov v12;
	s0 =	smov.u32 s31;
	s31 =	sadd.s32 $0x10, s31  }
0x6f: {  	v14 =	vld [tilespmem:s30+$0x0];
	_ =	sdelay $0x4  }
0x70: {  	vm0 =	vge.f32 v14, v11  }
0x71: {  	v14 =	vsel vm0, $0x1, v10;
	v15 =	vmpcnt.ones.xlane vm0  }
0x72: {  	(xrf0) =	vadd.scan.msk.s32 $0xffff, v14  }
0x73: {  	v12 =	vadd.s32 v12, v15  }
0x74: {  	vm1 =	vlt.s32 v12, $0x28  }
0x75: {  	v12 =	vnsel vm1, $0x28, v12;
	_ =	sdelay $0x2  }
0x76: {  	v14, _, _ =	vpop (xrf0)  }
0x77: {  	v13 =	vadd.s32 v14, v13  }
0x78: {  	v13 =	vadd.s32 $0xFFFFFFFF, v13  }
0x79: {  	vm1 =	vlt.s32 v13, $0x27  }
0x7a: {  	v13 =	vnsel vm1, $0x27, v13  }
.Ltmp1:
0x7b: {  	(pc) =	sbr.rel @p0 .LBB2_4-.Ltmp1, $3  }
0x7c: {  	_ =	sdelay $0x1  }
0x7d: {  	v14 =	vor.u32 s0, v1  }
0x7e: {  	[tilespmem:v13+s23+$0x0] =	vst.idx.msk vm0, v14;
	v14 =	vor.u32 s0, v4  }
0x7f: {  	_ =	sdelay $0x4  }
0x80: {  	[tilespmem:v13+s24+$0x0] =	vst.idx.msk vm0, v14  }
0x81: {  	[tilespmem:s26], [sflag:$0x1] =	stream.indirect.gather [hbm4b:s3+s25], $0x80, s24, s25, $0xb8;
	[tilespmem:$0x1680] =	vst v63  }
0x82: {  	_ =	swait.ge [sflag:s28], $0x1400  }
0x83: {  	[sflag:s28] =	ssyncset.done $0x0  }
0x84: {  	s30 =	simm.s32 $0x0;
	[sflag:s28] =	ssyncadd.s32 $0xFFFFEC00  }
0x85: {  	[hbm4b:s10+s30] =	stream.linear.scatter [tilespmem:s26], [sflag:$0x2], $0x1400, $0x38;
	[tilespmem:$0x1680] =	vst v63  }
0x86: {  	_ =	swait.ge [sflag:s21], $0x1400  }
0x87: {  	[sflag:s21] =	ssyncset.done $0x0  }
0x88: {  	[sflag:s21] =	ssyncadd.s32 $0xFFFFEC00  }
0x89: {  	[hbm4b:s17+s30] =	stream.linear.scatter [tilespmem:s23], [sflag:$0x2], $0x28, $0x38;
	[tilespmem:$0x1680] =	vst v63  }
0x8a: {  	_ =	swait.ge [sflag:s21], $0x28  }
0x8b: {  	[sflag:s21] =	ssyncset.done $0x0  }
0x8c: {  	[sflag:s21] =	ssyncadd.s32 $0xFFFFFFD8  }
0x8d: {  	[tilespmem:s30], [sflag:$0x2] =	stream.linear.gather [hbm4b:s11+s30], $0x100, $0x38;
	[tilespmem:$0x1680] =	vst v63  }
0x8e: {  	_ =	swait.ge [sflag:s21], $0x100  }
0x8f: {  	[sflag:s21] =	ssyncset.done $0x0  }
0x90: {  	[sflag:s21] =	ssyncadd.s32 $0xFFFFFF00  }
0x91: {  	[tilespmem:s22], [sflag:$0x2] =	stream.linear.gather [hbm4b:s13+s30], $0x10, $0x38;
	[tilespmem:$0x1680] =	vst v63  }
0x92: {  	_ =	swait.ge [sflag:s21], $0x10  }
0x93: {  	[sflag:s21] =	ssyncset.done $0x0  }
0x94: {  	[sflag:s21] =	ssyncadd.s32 $0xFFFFFFF0  }
0x95: {  	[tilespmem:$0x180] =	vst v5  }
0x96: {  	[tilespmem:$0x200] =	vst v9  }
0x97: {  	[tilespmem:$0x190] =	vst v5  }
0x98: {  	[tilespmem:$0x210] =	vst v9  }
0x99: {  	[tilespmem:$0x198] =	vst v5  }
0x9a: {  	v11 =	vld [tilespmem:$0x100];
	[tilespmem:$0x218] =	vst v9  }
0x9b: {  	v12 =	vld [tilespmem:s30+$0x0];
	_ =	sdelay $0x4  }
0x9c: {  	vm0 =	vge.f32 v12, v11  }
0x9d: {  	v12 =	vsel vm0, $0x1, v10  }
0x9e: {  	(xrf0) =	vadd.scan.msk.s32 $0xffff, v12;
	_ =	sdelay $0x5  }
0x9f: {  	v12 =	vimm.s32 $0x0;
	v13, _, _ =	vpop (xrf0)  }
0xa0: {  	v13 =	vadd.s32 v13, v12  }
0xa1: {  	v13 =	vadd.s32 $0xFFFFFFFF, v13  }
0xa2: {  	vm1 =	vlt.s32 v13, $0x27  }
0xa3: {  	v13 =	vnsel vm1, $0x27, v13  }
0xa4: {  	v14 =	vmpcnt.ones.xlane vm0;
	_ =	sdelay $0x1  }
0xa5: {  	v12 =	vadd.s32 v12, v14  }
0xa6: {  	v14 =	vor.u32 s30, v1;
	vm1 =	vlt.s32 v12, $0x28  }
0xa7: {  	s31 =	simm.s32 $0x10;
	v12 =	vnsel vm1, $0x28, v12;
	[tilespmem:v13+s23+$0x0] =	vst.idx.msk vm0, v14;
	v14 =	vor.u32 s30, v6  }
.LBB2_6:
0xa8: {  	p0 =	sne.s32 s31, $0xF0  }
0xa9: {  	[tilespmem:v13+s24+$0x0] =	vst.idx.msk vm0, v14;
	s30 =	sadd.s32 $0x10, s30;
	v13 =	vmov v12;
	s0 =	smov.u32 s31;
	s31 =	sadd.s32 $0x10, s31  }
0xaa: {  	v14 =	vld [tilespmem:s30+$0x0];
	_ =	sdelay $0x4  }
0xab: {  	vm0 =	vge.f32 v14, v11  }
0xac: {  	v14 =	vsel vm0, $0x1, v10;
	v15 =	vmpcnt.ones.xlane vm0  }
0xad: {  	(xrf0) =	vadd.scan.msk.s32 $0xffff, v14  }
0xae: {  	v12 =	vadd.s32 v12, v15  }
0xaf: {  	vm1 =	vlt.s32 v12, $0x28  }
0xb0: {  	v12 =	vnsel vm1, $0x28, v12;
	_ =	sdelay $0x2  }
0xb1: {  	v14, _, _ =	vpop (xrf0)  }
0xb2: {  	v13 =	vadd.s32 v14, v13  }
0xb3: {  	v13 =	vadd.s32 $0xFFFFFFFF, v13  }
0xb4: {  	vm1 =	vlt.s32 v13, $0x27  }
0xb5: {  	v13 =	vnsel vm1, $0x27, v13  }
.Ltmp2:
0xb6: {  	(pc) =	sbr.rel @p0 .LBB2_6-.Ltmp2, $3  }
0xb7: {  	_ =	sdelay $0x1  }
0xb8: {  	v14 =	vor.u32 s0, v1  }
0xb9: {  	[tilespmem:v13+s23+$0x0] =	vst.idx.msk vm0, v14;
	v14 =	vor.u32 s0, v6  }
0xba: {  	_ =	sdelay $0x4  }
0xbb: {  	[tilespmem:v13+s24+$0x0] =	vst.idx.msk vm0, v14  }
0xbc: {  	[tilespmem:s26], [sflag:$0x1] =	stream.indirect.gather [hbm4b:s3+s25], $0x80, s24, s25, $0xb8;
	[tilespmem:$0x1680] =	vst v63  }
0xbd: {  	_ =	swait.ge [sflag:s28], $0x1400  }
0xbe: {  	[sflag:s28] =	ssyncset.done $0x0  }
0xbf: {  	s30 =	simm.s32 $0x0;
	[sflag:s28] =	ssyncadd.s32 $0xFFFFEC00  }
0xc0: {  	[hbm4b:s15+s30] =	stream.linear.scatter [tilespmem:s26], [sflag:$0x2], $0x1400, $0x38;
	[tilespmem:$0x1680] =	vst v63  }
0xc1: {  	_ =	swait.ge [sflag:s21], $0x1400  }
0xc2: {  	[sflag:s21] =	ssyncset.done $0x0  }
0xc3: {  	[sflag:s21] =	ssyncadd.s32 $0xFFFFEC00  }
0xc4: {  	[hbm4b:s18+s30] =	stream.linear.scatter [tilespmem:s23], [sflag:$0x2], $0x28, $0x38;
	[tilespmem:$0x1680] =	vst v63  }
0xc5: {  	_ =	swait.ge [sflag:s21], $0x28  }
0xc6: {  	[sflag:s21] =	ssyncset.done $0x0  }
0xc7: {  	[sflag:s21] =	ssyncadd.s32 $0xFFFFFFD8  }
0xc8: {  	[tilespmem:s30], [sflag:$0x2] =	stream.linear.gather [hbm4b:s12+s30], $0x100, $0x38;
	[tilespmem:$0x1680] =	vst v63  }
0xc9: {  	_ =	swait.ge [sflag:s21], $0x100  }
0xca: {  	[sflag:s21] =	ssyncset.done $0x0  }
0xcb: {  	[sflag:s21] =	ssyncadd.s32 $0xFFFFFF00  }
0xcc: {  	[tilespmem:s22], [sflag:$0x2] =	stream.linear.gather [hbm4b:s14+s30], $0x10, $0x38;
	[tilespmem:$0x1680] =	vst v63  }
0xcd: {  	_ =	swait.ge [sflag:s21], $0x10  }
0xce: {  	[sflag:s21] =	ssyncset.done $0x0  }
0xcf: {  	[sflag:s21] =	ssyncadd.s32 $0xFFFFFFF0  }
0xd0: {  	[tilespmem:$0x180] =	vst v7  }
0xd1: {  	[tilespmem:$0x200] =	vst v9  }
0xd2: {  	[tilespmem:$0x190] =	vst v7  }
0xd3: {  	[tilespmem:$0x210] =	vst v9  }
0xd4: {  	[tilespmem:$0x198] =	vst v7  }
0xd5: {  	v11 =	vld [tilespmem:$0x100];
	[tilespmem:$0x218] =	vst v9  }
0xd6: {  	v12 =	vld [tilespmem:s30+$0x0];
	_ =	sdelay $0x4  }
0xd7: {  	vm0 =	vge.f32 v12, v11  }
0xd8: {  	v12 =	vsel vm0, $0x1, v10  }
0xd9: {  	(xrf0) =	vadd.scan.msk.s32 $0xffff, v12;
	_ =	sdelay $0x5  }
0xda: {  	v12 =	vimm.s32 $0x0;
	v13, _, _ =	vpop (xrf0)  }
0xdb: {  	v13 =	vadd.s32 v13, v12  }
0xdc: {  	v13 =	vadd.s32 $0xFFFFFFFF, v13  }
0xdd: {  	vm1 =	vlt.s32 v13, $0x27  }
0xde: {  	v13 =	vnsel vm1, $0x27, v13  }
0xdf: {  	v14 =	vmpcnt.ones.xlane vm0;
	_ =	sdelay $0x1  }
0xe0: {  	v12 =	vadd.s32 v12, v14  }
0xe1: {  	v14 =	vor.u32 s30, v1;
	vm1 =	vlt.s32 v12, $0x28  }
0xe2: {  	s31 =	simm.s32 $0x10;
	v12 =	vnsel vm1, $0x28, v12;
	[tilespmem:v13+s23+$0x0] =	vst.idx.msk vm0, v14;
	v14 =	vor.u32 s30, v8  }
.LBB2_8:
0xe3: {  	p0 =	sne.s32 s31, $0xF0  }
0xe4: {  	[tilespmem:v13+s24+$0x0] =	vst.idx.msk vm0, v14;
	s30 =	sadd.s32 $0x10, s30;
	v13 =	vmov v12;
	s0 =	smov.u32 s31;
	s31 =	sadd.s32 $0x10, s31  }
0xe5: {  	v14 =	vld [tilespmem:s30+$0x0];
	_ =	sdelay $0x4  }
0xe6: {  	vm0 =	vge.f32 v14, v11  }
0xe7: {  	v14 =	vsel vm0, $0x1, v10;
	v15 =	vmpcnt.ones.xlane vm0  }
0xe8: {  	(xrf0) =	vadd.scan.msk.s32 $0xffff, v14  }
0xe9: {  	v12 =	vadd.s32 v12, v15  }
0xea: {  	vm1 =	vlt.s32 v12, $0x28  }
0xeb: {  	v12 =	vnsel vm1, $0x28, v12;
	_ =	sdelay $0x2  }
0xec: {  	v14, _, _ =	vpop (xrf0)  }
0xed: {  	v13 =	vadd.s32 v14, v13  }
0xee: {  	v13 =	vadd.s32 $0xFFFFFFFF, v13  }
0xef: {  	vm1 =	vlt.s32 v13, $0x27  }
0xf0: {  	v13 =	vnsel vm1, $0x27, v13  }
.Ltmp3:
0xf1: {  	(pc) =	sbr.rel @p0 .LBB2_8-.Ltmp3, $3  }
0xf2: {  	_ =	sdelay $0x1  }
0xf3: {  	v14 =	vor.u32 s0, v1  }
0xf4: {  	[tilespmem:v13+s23+$0x0] =	vst.idx.msk vm0, v14;
	v14 =	vor.u32 s0, v8  }
0xf5: {  	_ =	sdelay $0x4  }
0xf6: {  	[tilespmem:v13+s24+$0x0] =	vst.idx.msk vm0, v14  }
0xf7: {  	[tilespmem:s26], [sflag:$0x1] =	stream.indirect.gather [hbm4b:s3+s25], $0x80, s24, s25, $0xb8;
	[tilespmem:$0x1680] =	vst v63  }
0xf8: {  	_ =	swait.ge [sflag:s28], $0x1400  }
0xf9: {  	[sflag:s28] =	ssyncset.done $0x0  }
0xfa: {  	[sflag:s28] =	ssyncadd.s32 $0xFFFFEC00  }
0xfb: {  	[hbm4b:s16+s1] =	stream.linear.scatter [tilespmem:s26], [sflag:$0x2], $0x1400, $0x38;
	[tilespmem:$0x1680] =	vst v63  }
0xfc: {  	s29 =	sadd.s32 $0x1, s29;
	_ =	swait.ge [sflag:s21], $0x1400  }
0xfd: {  	p0 =	sne.s32 s29, s20;
	[sflag:s21] =	ssyncset.done $0x0  }
.Ltmp4:
0xfe: {  	[sflag:s21] =	ssyncadd.s32 $0xFFFFEC00;
	(pc) =	sbr.rel @p0 .LBB2_1-.Ltmp4, $4  }
0xff: {  	[hbm4b:s19+s1] =	stream.linear.scatter [tilespmem:s23], [sflag:$0x2], $0x28, $0x38;
	[tilespmem:$0x1680] =	vst v63  }
0x100: {  	_ =	swait.ge [sflag:s21], $0x28  }
0x101: {  	[sflag:s21] =	ssyncset.done $0x0  }
0x102: {  	[sflag:s21] =	ssyncadd.s32 $0xFFFFFFD8  }
0x103: {  	_ =	sfence.sel $0x180000  }
0x104: {  	[bflag:$0x0] =	sbarrier.arrive $0xFFFF  }
0x105: {  	_ =	strace $0x90000047  }
0x106: {  	[bflag:$0x2] =	sbarrier.arrive $0xFFFF  }
0x107: {  	p0 =	sne.s32 s2, $0x0;
	s0 =	rddreg [dreg:$0x1]  }
0x108: {  	s0 =	sadd.s32 @!p0 $0x100000, s0  }
0x109: {  	[sflag:s0] =	ssyncadd.tile.s32 @!p0 $0x1;
	_ =	shalt  }
.Lfunc_end2:
_tile_overlayer_lowered:
.L_overlay_start_2:
0x10a: {  	(tag) =	ssettag $0x2  }
0x10b: {  	s0 =	rddreg [dreg:$0x0];
	s2 =	stileid.u32  }
0x10c: {  	s1 =	rddreg [dreg:$0x1];
	p0 =	sne.s32 s2, $0x0  }
0x10d: {  	s3 =	rddreg [dreg:$0x2];
	[bflag:$0x3] =	sbarrier.arrive $0xFFFF;
	s2 =	simm.s32 @!p0 $0x1C02  }
0x10e: {  	[timem:s3], [sflag:s2] =	dma.local @!p0 [hbm:s0], s1  }
0x10f: {  	s0 =	simm.s32 @!p0 $0x2  }
0x110: {  	_ =	swait.ge @!p0 [sflag:s0], s1  }
0x111: {  	s1 =	ssub.s32 @!p0 $0x0, s1;
	[sflag:s0] =	ssyncset.done @!p0 $0x0  }
0x112: {  	[sflag:s0] =	ssyncadd.s32 @!p0 s1  }
0x113: {  	[bflag:$0x3] =	sbarrier.arrive $0xFFFF  }
0x114: {  	_ =	shalt  }

</sc_bundles>
